<compile_context>
chip_gen: v7x
topology: tpu7x:2x2x1
jax: 0.10.2.dev20260603
libtpu: 0.0.44.dev20260713+nightly
codegen_flags: <defaults>
</compile_context>

<pallas_src>
import functools

import jax
import jax.numpy as jnp
from jax import lax
from jax.experimental import pallas as pl
from jax.experimental.pallas import tpu as pltpu
from jax.experimental.pallas import tpu_sc as plsc

H_DIM = 128
N_FIELDS = 26
F_PAD = 32
NUM_WORKERS = 32
CHUNK = 64
NBUF = 8


def _gather_kernel(xt_hbm, table_hbm, out_hbm, idx_v, rows_v, gsems, ssems):
    wid = lax.axis_index("s") * 2 + lax.axis_index("c")
    rows_per_w = idx_v.shape[1]
    blocks = rows_per_w // CHUNK
    blk_shift = blocks.bit_length() - 1
    n_chunks = N_FIELDS * blocks

    pltpu.sync_copy(xt_hbm.at[:, pl.ds(wid * rows_per_w, rows_per_w)], idx_v)

    def gather_copy(b, chunk):
        f = lax.shift_right_logical(chunk, blk_shift)
        blk = lax.bitwise_and(chunk, blocks - 1)
        return pltpu.make_async_copy(
            table_hbm.at[idx_v.at[f, pl.ds(blk * CHUNK, CHUNK)]],
            rows_v.at[b],
            gsems.at[b],
        )

    def store_copy(b, chunk):
        f = lax.shift_right_logical(chunk, blk_shift)
        blk = lax.bitwise_and(chunk, blocks - 1)
        return pltpu.make_async_copy(
            rows_v.at[b],
            out_hbm.at[f, pl.ds(wid * rows_per_w + blk * CHUNK, CHUNK)],
            ssems.at[b],
        )

    for b in range(NBUF):
        gather_copy(b, b).start()

    n_groups = n_chunks // NBUF

    def body(g, carry):
        for b in range(NBUF):
            chunk = g * NBUF + b
            gather_copy(b, chunk).wait()
            store_copy(b, chunk).start()
        for b in range(NBUF):
            chunk = g * NBUF + b
            store_copy(b, chunk).wait()

            @pl.when(g + 1 < n_groups)
            def _():
                gather_copy(b, (g + 1) * NBUF + b).start()

        return carry

    lax.fori_loop(0, n_groups, body, 0)


def kernel(x, table):
    batch, n_fields = x.shape
    rows_per_w = batch // NUM_WORKERS
    xt = jnp.pad(x.astype(jnp.int32).T, ((0, F_PAD - n_fields), (0, 0)))

    mesh = plsc.VectorSubcoreMesh(core_axis_name="c", subcore_axis_name="s")
    run = functools.partial(
        pl.kernel,
        mesh=mesh,
        out_type=jax.ShapeDtypeStruct((n_fields, batch, H_DIM), jnp.float32),
        scratch_types=[
            pltpu.VMEM((F_PAD, rows_per_w), jnp.int32),
            pltpu.VMEM((NBUF, CHUNK, H_DIM), jnp.float32),
            pltpu.SemaphoreType.DMA((NBUF,)),
            pltpu.SemaphoreType.DMA((NBUF,)),
        ],
    )(_gather_kernel)

    out_fm = run(xt, table)
    return jnp.transpose(out_fm, (1, 0, 2))

# --- scband reference (transcript-rebuilt; emitter-appended) ---
"""Pipeline reference for scband-project-layer-19894288515644 (READ-ONLY COPY).

The authoritative reference and input builder live on the scoring server;
editing this copy changes nothing except your own understanding.
"""

import jax, jax.numpy as jnp
import numpy as np

NUM_FEATURES = 99999
H_DIM = 128
BATCH = 16384
N_FIELDS = 26

def setup_inputs(seed: int = 0) -> dict:
    key = jax.random.key(seed)
    k_idx, k_tab = jax.random.split(key)
    x = jax.random.randint(k_idx, (BATCH, N_FIELDS), 0, NUM_FEATURES + 1, dtype=jnp.int64 if jax.config.jax_enable_x64 else jnp.int32)
    table = jax.random.normal(k_tab, (NUM_FEATURES + 1, H_DIM), dtype=jnp.float32)
    return {"x": x, "table": table}

def reference(x, table):
    # CATEGORICAL branch: nn.Embedding lookup
    return jnp.take(table, x, axis=0)

if __name__ == "__main__":
    import jax
    _d = setup_inputs()
    print(jax.jit(kernel)(*tuple(_d.values())))

</pallas_src>

<mosaic_0001>
#map = affine_map<(d0, d1) -> (0, 0)>
#map1 = affine_map<(d0, d1) -> (0, 0, 0)>
module attributes {stable_mosaic.version = 14 : i64} {
  func.func @_gather_kernel(%arg0: i32, %arg1: i32, %arg2: memref<32x16384xi32, #tpu.memory_space<hbm>>, %arg3: memref<100000x128xf32, #tpu.memory_space<hbm>>, %arg4: memref<26x16384x128xf32, #tpu.memory_space<hbm>>, %arg5: memref<32x512xi32, #tpu.memory_space<vmem>>, %arg6: memref<8x64x128xf32, #tpu.memory_space<vmem>>, %arg7: memref<8x!tpu.dma_semaphore, #tpu.memory_space<semaphore_mem>>, %arg8: memref<8x!tpu.dma_semaphore, #tpu.memory_space<semaphore_mem>>) attributes {dimension_semantics = [#tpu.dimension_semantics<core_parallel>, #tpu.dimension_semantics<subcore_parallel>], iteration_bounds = array<i64: 2, 16>, scalar_prefetch = 0 : i64, scratch_operands = 4 : i64, tpu.core_type = #tpu.core_type<sc_vector_subcore>, window_params = [{transform_indices = #map}, {transform_indices = #map}, {transform_indices = #map1}]} {
    %mul3A = arith.constant 2 : i32
    %mul3A_0 = arith.muli %arg1, %mul3A : i32
    %add3A = arith.addi %mul3A_0, %arg0 : i32
    %mul3A_1 = arith.constant 512 : i32
    %mul3A_2 = arith.muli %add3A, %mul3A_1 : i32
    "tpu.region"() ({
      %run_scoped3A = tpu.sem_alloc : memref<!tpu.dma_semaphore, #tpu.memory_space<semaphore_mem>>
      %dma_start3A_173 = arith.constant 0 : i32
      %dma_start3A_174 = tpu.memref_slice %arg2[%dma_start3A_173, %mul3A_2] : memref<32x16384xi32, #tpu.memory_space<hbm>> -> memref<32x512xi32, #tpu.memory_space<hbm>>
      %dma_start3A_175 = arith.constant 0 : i32
      %dma_start3A_176 = tpu.memref_slice %arg2[%dma_start3A_175, %mul3A_2] : memref<32x16384xi32, #tpu.memory_space<hbm>> -> memref<32x512xi32, #tpu.memory_space<hbm>>
      tpu.enqueue_dma source(%dma_start3A_176 : memref<32x512xi32, #tpu.memory_space<hbm>>) target(%arg5 : memref<32x512xi32, #tpu.memory_space<vmem>>) target_semaphore(%run_scoped3A : memref<!tpu.dma_semaphore, #tpu.memory_space<semaphore_mem>>)
      %dma_wait3A = arith.constant 0 : i32
      %dma_wait3A_177 = tpu.memref_slice %arg2[%dma_wait3A, %mul3A_2] : memref<32x16384xi32, #tpu.memory_space<hbm>> -> memref<32x512xi32, #tpu.memory_space<hbm>>
      %dma_wait3A_178 = arith.constant 0 : i32
      %dma_wait3A_179 = tpu.memref_slice %arg2[%dma_wait3A_178, %mul3A_2] : memref<32x16384xi32, #tpu.memory_space<hbm>> -> memref<32x512xi32, #tpu.memory_space<hbm>>
      tpu.wait_dma2 semaphore(%run_scoped3A : memref<!tpu.dma_semaphore, #tpu.memory_space<semaphore_mem>>) src(%dma_wait3A_179 : memref<32x512xi32, #tpu.memory_space<hbm>>) dst(%arg5 : memref<32x512xi32, #tpu.memory_space<vmem>>)
      tpu.yield
    }) : () -> ()
    %shift_right_logical3A = arith.constant 0 : i32
    %shift_right_logical3A_3 = arith.constant 3 : i32
    %shift_right_logical3A_4 = arith.shrui %shift_right_logical3A, %shift_right_logical3A_3 : i32
    %and3A = arith.constant 0 : i32
    %and3A_5 = arith.constant 7 : i32
    %and3A_6 = arith.andi %and3A, %and3A_5 : i32
    %mul3A_7 = arith.constant 64 : i32
    %mul3A_8 = arith.muli %and3A_6, %mul3A_7 : i32
    %dma_start3A = arith.constant 0 : i32
    %dma_start3A_9 = arith.constant 0 : i32
    %dma_start3A_10 = arith.constant 0 : i32
    %dma_start3A_11 = arith.constant 0 : i32
    %dma_start3A_12 = tpu.memref_slice %arg6[%dma_start3A, %dma_start3A_10, %dma_start3A_11] : memref<8x64x128xf32, #tpu.memory_space<vmem>> -> memref<1x64x128xf32, #tpu.memory_space<vmem>>
    %dma_start3A_13 = tpu.memref_squeeze %dma_start3A_12 : memref<1x64x128xf32, #tpu.memory_space<vmem>> -> memref<64x128xf32, #tpu.memory_space<vmem>>
    %dma_start3A_14 = tpu.memref_slice %arg5[%shift_right_logical3A_4, %mul3A_8] : memref<32x512xi32, #tpu.memory_space<vmem>> -> memref<1x64xi32, #tpu.memory_space<vmem>>
    %dma_start3A_15 = tpu.memref_squeeze %dma_start3A_14 : memref<1x64xi32, #tpu.memory_space<vmem>> -> memref<64xi32, #tpu.memory_space<vmem>>
    %dma_start3A_16 = arith.constant 0 : i32
    %dma_start3A_17 = arith.constant 0 : i32
    %dma_start3A_18 = tpu.memref_slice %arg3[%dma_start3A_16, %dma_start3A_17] : memref<100000x128xf32, #tpu.memory_space<hbm>> -> memref<100000x128xf32, #tpu.memory_space<hbm>>
    %dma_start3A_19 = tpu.memref_slice %arg7[%dma_start3A_9] : memref<8x!tpu.dma_semaphore, #tpu.memory_space<semaphore_mem>> -> memref<1x!tpu.dma_semaphore, #tpu.memory_space<semaphore_mem>>
    %dma_start3A_20 = tpu.memref_squeeze %dma_start3A_19 : memref<1x!tpu.dma_semaphore, #tpu.memory_space<semaphore_mem>> -> memref<!tpu.dma_semaphore, #tpu.memory_space<semaphore_mem>>
    tpu.enqueue_indirect_dma source(%dma_start3A_18 : memref<100000x128xf32, #tpu.memory_space<hbm>>) target(%dma_start3A_13 : memref<64x128xf32, #tpu.memory_space<vmem>>) offsets(%dma_start3A_15 : memref<64xi32, #tpu.memory_space<vmem>>) semaphore(%dma_start3A_20 : memref<!tpu.dma_semaphore, #tpu.memory_space<semaphore_mem>>)
    %shift_right_logical3A_21 = arith.constant 1 : i32
    %shift_right_logical3A_22 = arith.constant 3 : i32
    %shift_right_logical3A_23 = arith.shrui %shift_right_logical3A_21, %shift_right_logical3A_22 : i32
    %and3A_24 = arith.constant 1 : i32
    %and3A_25 = arith.constant 7 : i32
    %and3A_26 = arith.andi %and3A_24, %and3A_25 : i32
    %mul3A_27 = arith.constant 64 : i32
    %mul3A_28 = arith.muli %and3A_26, %mul3A_27 : i32
    %dma_start3A_29 = arith.constant 1 : i32
    %dma_start3A_30 = arith.constant 1 : i32
    %dma_start3A_31 = arith.constant 0 : i32
    %dma_start3A_32 = arith.constant 0 : i32
    %dma_start3A_33 = tpu.memref_slice %arg6[%dma_start3A_29, %dma_start3A_31, %dma_start3A_32] : memref<8x64x128xf32, #tpu.memory_space<vmem>> -> memref<1x64x128xf32, #tpu.memory_space<vmem>>
    %dma_start3A_34 = tpu.memref_squeeze %dma_start3A_33 : memref<1x64x128xf32, #tpu.memory_space<vmem>> -> memref<64x128xf32, #tpu.memory_space<vmem>>
    %dma_start3A_35 = tpu.memref_slice %arg5[%shift_right_logical3A_23, %mul3A_28] : memref<32x512xi32, #tpu.memory_space<vmem>> -> memref<1x64xi32, #tpu.memory_space<vmem>>
    %dma_start3A_36 = tpu.memref_squeeze %dma_start3A_35 : memref<1x64xi32, #tpu.memory_space<vmem>> -> memref<64xi32, #tpu.memory_space<vmem>>
    %dma_start3A_37 = arith.constant 0 : i32
    %dma_start3A_38 = arith.constant 0 : i32
    %dma_start3A_39 = tpu.memref_slice %arg3[%dma_start3A_37, %dma_start3A_38] : memref<100000x128xf32, #tpu.memory_space<hbm>> -> memref<100000x128xf32, #tpu.memory_space<hbm>>
    %dma_start3A_40 = tpu.memref_slice %arg7[%dma_start3A_30] : memref<8x!tpu.dma_semaphore, #tpu.memory_space<semaphore_mem>> -> memref<1x!tpu.dma_semaphore, #tpu.memory_space<semaphore_mem>>
    %dma_start3A_41 = tpu.memref_squeeze %dma_start3A_40 : memref<1x!tpu.dma_semaphore, #tpu.memory_space<semaphore_mem>> -> memref<!tpu.dma_semaphore, #tpu.memory_space<semaphore_mem>>
    tpu.enqueue_indirect_dma source(%dma_start3A_39 : memref<100000x128xf32, #tpu.memory_space<hbm>>) target(%dma_start3A_34 : memref<64x128xf32, #tpu.memory_space<vmem>>) offsets(%dma_start3A_36 : memref<64xi32, #tpu.memory_space<vmem>>) semaphore(%dma_start3A_41 : memref<!tpu.dma_semaphore, #tpu.memory_space<semaphore_mem>>)
    %shift_right_logical3A_42 = arith.constant 2 : i32
    %shift_right_logical3A_43 = arith.constant 3 : i32
    %shift_right_logical3A_44 = arith.shrui %shift_right_logical3A_42, %shift_right_logical3A_43 : i32
    %and3A_45 = arith.constant 2 : i32
    %and3A_46 = arith.constant 7 : i32
    %and3A_47 = arith.andi %and3A_45, %and3A_46 : i32
    %mul3A_48 = arith.constant 64 : i32
    %mul3A_49 = arith.muli %and3A_47, %mul3A_48 : i32
    %dma_start3A_50 = arith.constant 2 : i32
    %dma_start3A_51 = arith.constant 2 : i32
    %dma_start3A_52 = arith.constant 0 : i32
    %dma_start3A_53 = arith.constant 0 : i32
    %dma_start3A_54 = tpu.memref_slice %arg6[%dma_start3A_50, %dma_start3A_52, %dma_start3A_53] : memref<8x64x128xf32, #tpu.memory_space<vmem>> -> memref<1x64x128xf32, #tpu.memory_space<vmem>>
    %dma_start3A_55 = tpu.memref_squeeze %dma_start3A_54 : memref<1x64x128xf32, #tpu.memory_space<vmem>> -> memref<64x128xf32, #tpu.memory_space<vmem>>
    %dma_start3A_56 = tpu.memref_slice %arg5[%shift_right_logical3A_44, %mul3A_49] : memref<32x512xi32, #tpu.memory_space<vmem>> -> memref<1x64xi32, #tpu.memory_space<vmem>>
    %dma_start3A_57 = tpu.memref_squeeze %dma_start3A_56 : memref<1x64xi32, #tpu.memory_space<vmem>> -> memref<64xi32, #tpu.memory_space<vmem>>
    %dma_start3A_58 = arith.constant 0 : i32
    %dma_start3A_59 = arith.constant 0 : i32
    %dma_start3A_60 = tpu.memref_slice %arg3[%dma_start3A_58, %dma_start3A_59] : memref<100000x128xf32, #tpu.memory_space<hbm>> -> memref<100000x128xf32, #tpu.memory_space<hbm>>
    %dma_start3A_61 = tpu.memref_slice %arg7[%dma_start3A_51] : memref<8x!tpu.dma_semaphore, #tpu.memory_space<semaphore_mem>> -> memref<1x!tpu.dma_semaphore, #tpu.memory_space<semaphore_mem>>
    %dma_start3A_62 = tpu.memref_squeeze %dma_start3A_61 : memref<1x!tpu.dma_semaphore, #tpu.memory_space<semaphore_mem>> -> memref<!tpu.dma_semaphore, #tpu.memory_space<semaphore_mem>>
    tpu.enqueue_indirect_dma source(%dma_start3A_60 : memref<100000x128xf32, #tpu.memory_space<hbm>>) target(%dma_start3A_55 : memref<64x128xf32, #tpu.memory_space<vmem>>) offsets(%dma_start3A_57 : memref<64xi32, #tpu.memory_space<vmem>>) semaphore(%dma_start3A_62 : memref<!tpu.dma_semaphore, #tpu.memory_space<semaphore_mem>>)
    %shift_right_logical3A_63 = arith.constant 3 : i32
    %shift_right_logical3A_64 = arith.constant 3 : i32
    %shift_right_logical3A_65 = arith.shrui %shift_right_logical3A_63, %shift_right_logical3A_64 : i32
    %and3A_66 = arith.constant 3 : i32
    %and3A_67 = arith.constant 7 : i32
    %and3A_68 = arith.andi %and3A_66, %and3A_67 : i32
    %mul3A_69 = arith.constant 64 : i32
    %mul3A_70 = arith.muli %and3A_68, %mul3A_69 : i32
    %dma_start3A_71 = arith.constant 3 : i32
    %dma_start3A_72 = arith.constant 3 : i32
    %dma_start3A_73 = arith.constant 0 : i32
    %dma_start3A_74 = arith.constant 0 : i32
    %dma_start3A_75 = tpu.memref_slice %arg6[%dma_start3A_71, %dma_start3A_73, %dma_start3A_74] : memref<8x64x128xf32, #tpu.memory_space<vmem>> -> memref<1x64x128xf32, #tpu.memory_space<vmem>>
    %dma_start3A_76 = tpu.memref_squeeze %dma_start3A_75 : memref<1x64x128xf32, #tpu.memory_space<vmem>> -> memref<64x128xf32, #tpu.memory_space<vmem>>
    %dma_start3A_77 = tpu.memref_slice %arg5[%shift_right_logical3A_65, %mul3A_70] : memref<32x512xi32, #tpu.memory_space<vmem>> -> memref<1x64xi32, #tpu.memory_space<vmem>>
    %dma_start3A_78 = tpu.memref_squeeze %dma_start3A_77 : memref<1x64xi32, #tpu.memory_space<vmem>> -> memref<64xi32, #tpu.memory_space<vmem>>
    %dma_start3A_79 = arith.constant 0 : i32
    %dma_start3A_80 = arith.constant 0 : i32
    %dma_start3A_81 = tpu.memref_slice %arg3[%dma_start3A_79, %dma_start3A_80] : memref<100000x128xf32, #tpu.memory_space<hbm>> -> memref<100000x128xf32, #tpu.memory_space<hbm>>
    %dma_start3A_82 = tpu.memref_slice %arg7[%dma_start3A_72] : memref<8x!tpu.dma_semaphore, #tpu.memory_space<semaphore_mem>> -> memref<1x!tpu.dma_semaphore, #tpu.memory_space<semaphore_mem>>
    %dma_start3A_83 = tpu.memref_squeeze %dma_start3A_82 : memref<1x!tpu.dma_semaphore, #tpu.memory_space<semaphore_mem>> -> memref<!tpu.dma_semaphore, #tpu.memory_space<semaphore_mem>>
    tpu.enqueue_indirect_dma source(%dma_start3A_81 : memref<100000x128xf32, #tpu.memory_space<hbm>>) target(%dma_start3A_76 : memref<64x128xf32, #tpu.memory_space<vmem>>) offsets(%dma_start3A_78 : memref<64xi32, #tpu.memory_space<vmem>>) semaphore(%dma_start3A_83 : memref<!tpu.dma_semaphore, #tpu.memory_space<semaphore_mem>>)
    %shift_right_logical3A_84 = arith.constant 4 : i32
    %shift_right_logical3A_85 = arith.constant 3 : i32
    %shift_right_logical3A_86 = arith.shrui %shift_right_logical3A_84, %shift_right_logical3A_85 : i32
    %and3A_87 = arith.constant 4 : i32
    %and3A_88 = arith.constant 7 : i32
    %and3A_89 = arith.andi %and3A_87, %and3A_88 : i32
    %mul3A_90 = arith.constant 64 : i32
    %mul3A_91 = arith.muli %and3A_89, %mul3A_90 : i32
    %dma_start3A_92 = arith.constant 4 : i32
    %dma_start3A_93 = arith.constant 4 : i32
    %dma_start3A_94 = arith.constant 0 : i32
    %dma_start3A_95 = arith.constant 0 : i32
    %dma_start3A_96 = tpu.memref_slice %arg6[%dma_start3A_92, %dma_start3A_94, %dma_start3A_95] : memref<8x64x128xf32, #tpu.memory_space<vmem>> -> memref<1x64x128xf32, #tpu.memory_space<vmem>>
    %dma_start3A_97 = tpu.memref_squeeze %dma_start3A_96 : memref<1x64x128xf32, #tpu.memory_space<vmem>> -> memref<64x128xf32, #tpu.memory_space<vmem>>
    %dma_start3A_98 = tpu.memref_slice %arg5[%shift_right_logical3A_86, %mul3A_91] : memref<32x512xi32, #tpu.memory_space<vmem>> -> memref<1x64xi32, #tpu.memory_space<vmem>>
    %dma_start3A_99 = tpu.memref_squeeze %dma_start3A_98 : memref<1x64xi32, #tpu.memory_space<vmem>> -> memref<64xi32, #tpu.memory_space<vmem>>
    %dma_start3A_100 = arith.constant 0 : i32
    %dma_start3A_101 = arith.constant 0 : i32
    %dma_start3A_102 = tpu.memref_slice %arg3[%dma_start3A_100, %dma_start3A_101] : memref<100000x128xf32, #tpu.memory_space<hbm>> -> memref<100000x128xf32, #tpu.memory_space<hbm>>
    %dma_start3A_103 = tpu.memref_slice %arg7[%dma_start3A_93] : memref<8x!tpu.dma_semaphore, #tpu.memory_space<semaphore_mem>> -> memref<1x!tpu.dma_semaphore, #tpu.memory_space<semaphore_mem>>
    %dma_start3A_104 = tpu.memref_squeeze %dma_start3A_103 : memref<1x!tpu.dma_semaphore, #tpu.memory_space<semaphore_mem>> -> memref<!tpu.dma_semaphore, #tpu.memory_space<semaphore_mem>>
    tpu.enqueue_indirect_dma source(%dma_start3A_102 : memref<100000x128xf32, #tpu.memory_space<hbm>>) target(%dma_start3A_97 : memref<64x128xf32, #tpu.memory_space<vmem>>) offsets(%dma_start3A_99 : memref<64xi32, #tpu.memory_space<vmem>>) semaphore(%dma_start3A_104 : memref<!tpu.dma_semaphore, #tpu.memory_space<semaphore_mem>>)
    %shift_right_logical3A_105 = arith.constant 5 : i32
    %shift_right_logical3A_106 = arith.constant 3 : i32
    %shift_right_logical3A_107 = arith.shrui %shift_right_logical3A_105, %shift_right_logical3A_106 : i32
    %and3A_108 = arith.constant 5 : i32
    %and3A_109 = arith.constant 7 : i32
    %and3A_110 = arith.andi %and3A_108, %and3A_109 : i32
    %mul3A_111 = arith.constant 64 : i32
    %mul3A_112 = arith.muli %and3A_110, %mul3A_111 : i32
    %dma_start3A_113 = arith.constant 5 : i32
    %dma_start3A_114 = arith.constant 5 : i32
    %dma_start3A_115 = arith.constant 0 : i32
    %dma_start3A_116 = arith.constant 0 : i32
    %dma_start3A_117 = tpu.memref_slice %arg6[%dma_start3A_113, %dma_start3A_115, %dma_start3A_116] : memref<8x64x128xf32, #tpu.memory_space<vmem>> -> memref<1x64x128xf32, #tpu.memory_space<vmem>>
    %dma_start3A_118 = tpu.memref_squeeze %dma_start3A_117 : memref<1x64x128xf32, #tpu.memory_space<vmem>> -> memref<64x128xf32, #tpu.memory_space<vmem>>
    %dma_start3A_119 = tpu.memref_slice %arg5[%shift_right_logical3A_107, %mul3A_112] : memref<32x512xi32, #tpu.memory_space<vmem>> -> memref<1x64xi32, #tpu.memory_space<vmem>>
    %dma_start3A_120 = tpu.memref_squeeze %dma_start3A_119 : memref<1x64xi32, #tpu.memory_space<vmem>> -> memref<64xi32, #tpu.memory_space<vmem>>
    %dma_start3A_121 = arith.constant 0 : i32
    %dma_start3A_122 = arith.constant 0 : i32
    %dma_start3A_123 = tpu.memref_slice %arg3[%dma_start3A_121, %dma_start3A_122] : memref<100000x128xf32, #tpu.memory_space<hbm>> -> memref<100000x128xf32, #tpu.memory_space<hbm>>
    %dma_start3A_124 = tpu.memref_slice %arg7[%dma_start3A_114] : memref<8x!tpu.dma_semaphore, #tpu.memory_space<semaphore_mem>> -> memref<1x!tpu.dma_semaphore, #tpu.memory_space<semaphore_mem>>
    %dma_start3A_125 = tpu.memref_squeeze %dma_start3A_124 : memref<1x!tpu.dma_semaphore, #tpu.memory_space<semaphore_mem>> -> memref<!tpu.dma_semaphore, #tpu.memory_space<semaphore_mem>>
    tpu.enqueue_indirect_dma source(%dma_start3A_123 : memref<100000x128xf32, #tpu.memory_space<hbm>>) target(%dma_start3A_118 : memref<64x128xf32, #tpu.memory_space<vmem>>) offsets(%dma_start3A_120 : memref<64xi32, #tpu.memory_space<vmem>>) semaphore(%dma_start3A_125 : memref<!tpu.dma_semaphore, #tpu.memory_space<semaphore_mem>>)
    %shift_right_logical3A_126 = arith.constant 6 : i32
    %shift_right_logical3A_127 = arith.constant 3 : i32
    %shift_right_logical3A_128 = arith.shrui %shift_right_logical3A_126, %shift_right_logical3A_127 : i32
    %and3A_129 = arith.constant 6 : i32
    %and3A_130 = arith.constant 7 : i32
    %and3A_131 = arith.andi %and3A_129, %and3A_130 : i32
    %mul3A_132 = arith.constant 64 : i32
    %mul3A_133 = arith.muli %and3A_131, %mul3A_132 : i32
    %dma_start3A_134 = arith.constant 6 : i32
    %dma_start3A_135 = arith.constant 6 : i32
    %dma_start3A_136 = arith.constant 0 : i32
    %dma_start3A_137 = arith.constant 0 : i32
    %dma_start3A_138 = tpu.memref_slice %arg6[%dma_start3A_134, %dma_start3A_136, %dma_start3A_137] : memref<8x64x128xf32, #tpu.memory_space<vmem>> -> memref<1x64x128xf32, #tpu.memory_space<vmem>>
    %dma_start3A_139 = tpu.memref_squeeze %dma_start3A_138 : memref<1x64x128xf32, #tpu.memory_space<vmem>> -> memref<64x128xf32, #tpu.memory_space<vmem>>
    %dma_start3A_140 = tpu.memref_slice %arg5[%shift_right_logical3A_128, %mul3A_133] : memref<32x512xi32, #tpu.memory_space<vmem>> -> memref<1x64xi32, #tpu.memory_space<vmem>>
    %dma_start3A_141 = tpu.memref_squeeze %dma_start3A_140 : memref<1x64xi32, #tpu.memory_space<vmem>> -> memref<64xi32, #tpu.memory_space<vmem>>
    %dma_start3A_142 = arith.constant 0 : i32
    %dma_start3A_143 = arith.constant 0 : i32
    %dma_start3A_144 = tpu.memref_slice %arg3[%dma_start3A_142, %dma_start3A_143] : memref<100000x128xf32, #tpu.memory_space<hbm>> -> memref<100000x128xf32, #tpu.memory_space<hbm>>
    %dma_start3A_145 = tpu.memref_slice %arg7[%dma_start3A_135] : memref<8x!tpu.dma_semaphore, #tpu.memory_space<semaphore_mem>> -> memref<1x!tpu.dma_semaphore, #tpu.memory_space<semaphore_mem>>
    %dma_start3A_146 = tpu.memref_squeeze %dma_start3A_145 : memref<1x!tpu.dma_semaphore, #tpu.memory_space<semaphore_mem>> -> memref<!tpu.dma_semaphore, #tpu.memory_space<semaphore_mem>>
    tpu.enqueue_indirect_dma source(%dma_start3A_144 : memref<100000x128xf32, #tpu.memory_space<hbm>>) target(%dma_start3A_139 : memref<64x128xf32, #tpu.memory_space<vmem>>) offsets(%dma_start3A_141 : memref<64xi32, #tpu.memory_space<vmem>>) semaphore(%dma_start3A_146 : memref<!tpu.dma_semaphore, #tpu.memory_space<semaphore_mem>>)
    %shift_right_logical3A_147 = arith.constant 7 : i32
    %shift_right_logical3A_148 = arith.constant 3 : i32
    %shift_right_logical3A_149 = arith.shrui %shift_right_logical3A_147, %shift_right_logical3A_148 : i32
    %and3A_150 = arith.constant 7 : i32
    %and3A_151 = arith.constant 7 : i32
    %and3A_152 = arith.andi %and3A_150, %and3A_151 : i32
    %mul3A_153 = arith.constant 64 : i32
    %mul3A_154 = arith.muli %and3A_152, %mul3A_153 : i32
    %dma_start3A_155 = arith.constant 7 : i32
    %dma_start3A_156 = arith.constant 7 : i32
    %dma_start3A_157 = arith.constant 0 : i32
    %dma_start3A_158 = arith.constant 0 : i32
    %dma_start3A_159 = tpu.memref_slice %arg6[%dma_start3A_155, %dma_start3A_157, %dma_start3A_158] : memref<8x64x128xf32, #tpu.memory_space<vmem>> -> memref<1x64x128xf32, #tpu.memory_space<vmem>>
    %dma_start3A_160 = tpu.memref_squeeze %dma_start3A_159 : memref<1x64x128xf32, #tpu.memory_space<vmem>> -> memref<64x128xf32, #tpu.memory_space<vmem>>
    %dma_start3A_161 = tpu.memref_slice %arg5[%shift_right_logical3A_149, %mul3A_154] : memref<32x512xi32, #tpu.memory_space<vmem>> -> memref<1x64xi32, #tpu.memory_space<vmem>>
    %dma_start3A_162 = tpu.memref_squeeze %dma_start3A_161 : memref<1x64xi32, #tpu.memory_space<vmem>> -> memref<64xi32, #tpu.memory_space<vmem>>
    %dma_start3A_163 = arith.constant 0 : i32
    %dma_start3A_164 = arith.constant 0 : i32
    %dma_start3A_165 = tpu.memref_slice %arg3[%dma_start3A_163, %dma_start3A_164] : memref<100000x128xf32, #tpu.memory_space<hbm>> -> memref<100000x128xf32, #tpu.memory_space<hbm>>
    %dma_start3A_166 = tpu.memref_slice %arg7[%dma_start3A_156] : memref<8x!tpu.dma_semaphore, #tpu.memory_space<semaphore_mem>> -> memref<1x!tpu.dma_semaphore, #tpu.memory_space<semaphore_mem>>
    %dma_start3A_167 = tpu.memref_squeeze %dma_start3A_166 : memref<1x!tpu.dma_semaphore, #tpu.memory_space<semaphore_mem>> -> memref<!tpu.dma_semaphore, #tpu.memory_space<semaphore_mem>>
    tpu.enqueue_indirect_dma source(%dma_start3A_165 : memref<100000x128xf32, #tpu.memory_space<hbm>>) target(%dma_start3A_160 : memref<64x128xf32, #tpu.memory_space<vmem>>) offsets(%dma_start3A_162 : memref<64xi32, #tpu.memory_space<vmem>>) semaphore(%dma_start3A_167 : memref<!tpu.dma_semaphore, #tpu.memory_space<semaphore_mem>>)
    %scan3A = arith.constant 0 : i32
    %scan3A_168 = arith.constant 0 : i32
    %scan3A_169 = arith.constant 26 : i32
    %scan3A_170 = arith.addi %scan3A_168, %scan3A_169 : i32
    %scan3A_171 = arith.constant 1 : i32
    scf.for %scan3A_173 = %scan3A_168 to %scan3A_170 step %scan3A_171  : i32 {
      %mul3A_174 = arith.constant 8 : i32
      %mul3A_175 = arith.muli %scan3A_173, %mul3A_174 : i32
      %add3A_176 = arith.constant 0 : i32
      %add3A_177 = arith.addi %mul3A_175, %add3A_176 : i32
      %shift_right_logical3A_178 = arith.constant 3 : i32
      %shift_right_logical3A_179 = arith.shrui %add3A_177, %shift_right_logical3A_178 : i32
      %and3A_180 = arith.constant 7 : i32
      %and3A_181 = arith.andi %add3A_177, %and3A_180 : i32
      %mul3A_182 = arith.constant 64 : i32
      %mul3A_183 = arith.muli %and3A_181, %mul3A_182 : i32
      %dma_wait3A = arith.constant 0 : i32
      %dma_wait3A_184 = arith.constant 0 : i32
      %dma_wait3A_185 = arith.constant 0 : i32
      %dma_wait3A_186 = arith.constant 0 : i32
      %dma_wait3A_187 = tpu.memref_slice %arg6[%dma_wait3A, %dma_wait3A_185, %dma_wait3A_186] : memref<8x64x128xf32, #tpu.memory_space<vmem>> -> memref<1x64x128xf32, #tpu.memory_space<vmem>>
      %dma_wait3A_188 = tpu.memref_squeeze %dma_wait3A_187 : memref<1x64x128xf32, #tpu.memory_space<vmem>> -> memref<64x128xf32, #tpu.memory_space<vmem>>
      %dma_wait3A_189 = tpu.memref_slice %arg5[%shift_right_logical3A_179, %mul3A_183] : memref<32x512xi32, #tpu.memory_space<vmem>> -> memref<1x64xi32, #tpu.memory_space<vmem>>
      %dma_wait3A_190 = tpu.memref_squeeze %dma_wait3A_189 : memref<1x64xi32, #tpu.memory_space<vmem>> -> memref<64xi32, #tpu.memory_space<vmem>>
      %dma_wait3A_191 = arith.constant 0 : i32
      %dma_wait3A_192 = arith.constant 0 : i32
      %dma_wait3A_193 = tpu.memref_slice %arg3[%dma_wait3A_191, %dma_wait3A_192] : memref<100000x128xf32, #tpu.memory_space<hbm>> -> memref<100000x128xf32, #tpu.memory_space<hbm>>
      %dma_wait3A_194 = tpu.memref_slice %arg7[%dma_wait3A_184] : memref<8x!tpu.dma_semaphore, #tpu.memory_space<semaphore_mem>> -> memref<1x!tpu.dma_semaphore, #tpu.memory_space<semaphore_mem>>
      %dma_wait3A_195 = tpu.memref_squeeze %dma_wait3A_194 : memref<1x!tpu.dma_semaphore, #tpu.memory_space<semaphore_mem>> -> memref<!tpu.dma_semaphore, #tpu.memory_space<semaphore_mem>>
      tpu.wait_indirect_dma semaphore(%dma_wait3A_195 : memref<!tpu.dma_semaphore, #tpu.memory_space<semaphore_mem>>) src(%dma_wait3A_193 : memref<100000x128xf32, #tpu.memory_space<hbm>>) dst(%dma_wait3A_188 : memref<64x128xf32, #tpu.memory_space<vmem>>)
      %shift_right_logical3A_196 = arith.constant 3 : i32
      %shift_right_logical3A_197 = arith.shrui %add3A_177, %shift_right_logical3A_196 : i32
      %and3A_198 = arith.constant 7 : i32
      %and3A_199 = arith.andi %add3A_177, %and3A_198 : i32
      %mul3A_200 = arith.constant 512 : i32
      %mul3A_201 = arith.muli %add3A, %mul3A_200 : i32
      %mul3A_202 = arith.constant 64 : i32
      %mul3A_203 = arith.muli %and3A_199, %mul3A_202 : i32
      %add3A_204 = arith.addi %mul3A_201, %mul3A_203 : i32
      %dma_start3A_205 = arith.constant 0 : i32
      %dma_start3A_206 = arith.constant 0 : i32
      %dma_start3A_207 = arith.constant 0 : i32
      %dma_start3A_208 = arith.constant 0 : i32
      %dma_start3A_209 = tpu.memref_slice %arg6[%dma_start3A_205, %dma_start3A_207, %dma_start3A_208] : memref<8x64x128xf32, #tpu.memory_space<vmem>> -> memref<1x64x128xf32, #tpu.memory_space<vmem>>
      %dma_start3A_210 = tpu.memref_squeeze %dma_start3A_209 : memref<1x64x128xf32, #tpu.memory_space<vmem>> -> memref<64x128xf32, #tpu.memory_space<vmem>>
      %dma_start3A_211 = arith.constant 0 : i32
      %dma_start3A_212 = tpu.memref_slice %arg4[%shift_right_logical3A_197, %add3A_204, %dma_start3A_211] : memref<26x16384x128xf32, #tpu.memory_space<hbm>> -> memref<1x64x128xf32, #tpu.memory_space<hbm>>
      %dma_start3A_213 = tpu.memref_squeeze %dma_start3A_212 : memref<1x64x128xf32, #tpu.memory_space<hbm>> -> memref<64x128xf32, #tpu.memory_space<hbm>>
      %dma_start3A_214 = tpu.memref_slice %arg8[%dma_start3A_206] : memref<8x!tpu.dma_semaphore, #tpu.memory_space<semaphore_mem>> -> memref<1x!tpu.dma_semaphore, #tpu.memory_space<semaphore_mem>>
      %dma_start3A_215 = tpu.memref_squeeze %dma_start3A_214 : memref<1x!tpu.dma_semaphore, #tpu.memory_space<semaphore_mem>> -> memref<!tpu.dma_semaphore, #tpu.memory_space<semaphore_mem>>
      %dma_start3A_216 = arith.constant 0 : i32
      %dma_start3A_217 = tpu.memref_slice %arg4[%shift_right_logical3A_197, %add3A_204, %dma_start3A_216] : memref<26x16384x128xf32, #tpu.memory_space<hbm>> -> memref<1x64x128xf32, #tpu.memory_space<hbm>>
      %dma_start3A_218 = tpu.memref_squeeze %dma_start3A_217 : memref<1x64x128xf32, #tpu.memory_space<hbm>> -> memref<64x128xf32, #tpu.memory_space<hbm>>
      %dma_start3A_219 = arith.constant 0 : i32
      %dma_start3A_220 = arith.constant 0 : i32
      %dma_start3A_221 = tpu.memref_slice %arg6[%dma_start3A_205, %dma_start3A_219, %dma_start3A_220] : memref<8x64x128xf32, #tpu.memory_space<vmem>> -> memref<1x64x128xf32, #tpu.memory_space<vmem>>
      %dma_start3A_222 = tpu.memref_squeeze %dma_start3A_221 : memref<1x64x128xf32, #tpu.memory_space<vmem>> -> memref<64x128xf32, #tpu.memory_space<vmem>>
      tpu.enqueue_dma source(%dma_start3A_222 : memref<64x128xf32, #tpu.memory_space<vmem>>) target(%dma_start3A_218 : memref<64x128xf32, #tpu.memory_space<hbm>>) target_semaphore(%dma_start3A_215 : memref<!tpu.dma_semaphore, #tpu.memory_space<semaphore_mem>>)
      %mul3A_223 = arith.constant 8 : i32
      %mul3A_224 = arith.muli %scan3A_173, %mul3A_223 : i32
      %add3A_225 = arith.constant 1 : i32
      %add3A_226 = arith.addi %mul3A_224, %add3A_225 : i32
      %shift_right_logical3A_227 = arith.constant 3 : i32
      %shift_right_logical3A_228 = arith.shrui %add3A_226, %shift_right_logical3A_227 : i32
      %and3A_229 = arith.constant 7 : i32
      %and3A_230 = arith.andi %add3A_226, %and3A_229 : i32
      %mul3A_231 = arith.constant 64 : i32
      %mul3A_232 = arith.muli %and3A_230, %mul3A_231 : i32
      %dma_wait3A_233 = arith.constant 1 : i32
      %dma_wait3A_234 = arith.constant 1 : i32
      %dma_wait3A_235 = arith.constant 0 : i32
      %dma_wait3A_236 = arith.constant 0 : i32
      %dma_wait3A_237 = tpu.memref_slice %arg6[%dma_wait3A_233, %dma_wait3A_235, %dma_wait3A_236] : memref<8x64x128xf32, #tpu.memory_space<vmem>> -> memref<1x64x128xf32, #tpu.memory_space<vmem>>
      %dma_wait3A_238 = tpu.memref_squeeze %dma_wait3A_237 : memref<1x64x128xf32, #tpu.memory_space<vmem>> -> memref<64x128xf32, #tpu.memory_space<vmem>>
      %dma_wait3A_239 = tpu.memref_slice %arg5[%shift_right_logical3A_228, %mul3A_232] : memref<32x512xi32, #tpu.memory_space<vmem>> -> memref<1x64xi32, #tpu.memory_space<vmem>>
      %dma_wait3A_240 = tpu.memref_squeeze %dma_wait3A_239 : memref<1x64xi32, #tpu.memory_space<vmem>> -> memref<64xi32, #tpu.memory_space<vmem>>
      %dma_wait3A_241 = arith.constant 0 : i32
      %dma_wait3A_242 = arith.constant 0 : i32
      %dma_wait3A_243 = tpu.memref_slice %arg3[%dma_wait3A_241, %dma_wait3A_242] : memref<100000x128xf32, #tpu.memory_space<hbm>> -> memref<100000x128xf32, #tpu.memory_space<hbm>>
      %dma_wait3A_244 = tpu.memref_slice %arg7[%dma_wait3A_234] : memref<8x!tpu.dma_semaphore, #tpu.memory_space<semaphore_mem>> -> memref<1x!tpu.dma_semaphore, #tpu.memory_space<semaphore_mem>>
      %dma_wait3A_245 = tpu.memref_squeeze %dma_wait3A_244 : memref<1x!tpu.dma_semaphore, #tpu.memory_space<semaphore_mem>> -> memref<!tpu.dma_semaphore, #tpu.memory_space<semaphore_mem>>
      tpu.wait_indirect_dma semaphore(%dma_wait3A_245 : memref<!tpu.dma_semaphore, #tpu.memory_space<semaphore_mem>>) src(%dma_wait3A_243 : memref<100000x128xf32, #tpu.memory_space<hbm>>) dst(%dma_wait3A_238 : memref<64x128xf32, #tpu.memory_space<vmem>>)
      %shift_right_logical3A_246 = arith.constant 3 : i32
      %shift_right_logical3A_247 = arith.shrui %add3A_226, %shift_right_logical3A_246 : i32
      %and3A_248 = arith.constant 7 : i32
      %and3A_249 = arith.andi %add3A_226, %and3A_248 : i32
      %mul3A_250 = arith.constant 512 : i32
      %mul3A_251 = arith.muli %add3A, %mul3A_250 : i32
      %mul3A_252 = arith.constant 64 : i32
      %mul3A_253 = arith.muli %and3A_249, %mul3A_252 : i32
      %add3A_254 = arith.addi %mul3A_251, %mul3A_253 : i32
      %dma_start3A_255 = arith.constant 1 : i32
      %dma_start3A_256 = arith.constant 1 : i32
      %dma_start3A_257 = arith.constant 0 : i32
      %dma_start3A_258 = arith.constant 0 : i32
      %dma_start3A_259 = tpu.memref_slice %arg6[%dma_start3A_255, %dma_start3A_257, %dma_start3A_258] : memref<8x64x128xf32, #tpu.memory_space<vmem>> -> memref<1x64x128xf32, #tpu.memory_space<vmem>>
      %dma_start3A_260 = tpu.memref_squeeze %dma_start3A_259 : memref<1x64x128xf32, #tpu.memory_space<vmem>> -> memref<64x128xf32, #tpu.memory_space<vmem>>
      %dma_start3A_261 = arith.constant 0 : i32
      %dma_start3A_262 = tpu.memref_slice %arg4[%shift_right_logical3A_247, %add3A_254, %dma_start3A_261] : memref<26x16384x128xf32, #tpu.memory_space<hbm>> -> memref<1x64x128xf32, #tpu.memory_space<hbm>>
      %dma_start3A_263 = tpu.memref_squeeze %dma_start3A_262 : memref<1x64x128xf32, #tpu.memory_space<hbm>> -> memref<64x128xf32, #tpu.memory_space<hbm>>
      %dma_start3A_264 = tpu.memref_slice %arg8[%dma_start3A_256] : memref<8x!tpu.dma_semaphore, #tpu.memory_space<semaphore_mem>> -> memref<1x!tpu.dma_semaphore, #tpu.memory_space<semaphore_mem>>
      %dma_start3A_265 = tpu.memref_squeeze %dma_start3A_264 : memref<1x!tpu.dma_semaphore, #tpu.memory_space<semaphore_mem>> -> memref<!tpu.dma_semaphore, #tpu.memory_space<semaphore_mem>>
      %dma_start3A_266 = arith.constant 0 : i32
      %dma_start3A_267 = tpu.memref_slice %arg4[%shift_right_logical3A_247, %add3A_254, %dma_start3A_266] : memref<26x16384x128xf32, #tpu.memory_space<hbm>> -> memref<1x64x128xf32, #tpu.memory_space<hbm>>
      %dma_start3A_268 = tpu.memref_squeeze %dma_start3A_267 : memref<1x64x128xf32, #tpu.memory_space<hbm>> -> memref<64x128xf32, #tpu.memory_space<hbm>>
      %dma_start3A_269 = arith.constant 0 : i32
      %dma_start3A_270 = arith.constant 0 : i32
      %dma_start3A_271 = tpu.memref_slice %arg6[%dma_start3A_255, %dma_start3A_269, %dma_start3A_270] : memref<8x64x128xf32, #tpu.memory_space<vmem>> -> memref<1x64x128xf32, #tpu.memory_space<vmem>>
      %dma_start3A_272 = tpu.memref_squeeze %dma_start3A_271 : memref<1x64x128xf32, #tpu.memory_space<vmem>> -> memref<64x128xf32, #tpu.memory_space<vmem>>
      tpu.enqueue_dma source(%dma_start3A_272 : memref<64x128xf32, #tpu.memory_space<vmem>>) target(%dma_start3A_268 : memref<64x128xf32, #tpu.memory_space<hbm>>) target_semaphore(%dma_start3A_265 : memref<!tpu.dma_semaphore, #tpu.memory_space<semaphore_mem>>)
      %mul3A_273 = arith.constant 8 : i32
      %mul3A_274 = arith.muli %scan3A_173, %mul3A_273 : i32
      %add3A_275 = arith.constant 2 : i32
      %add3A_276 = arith.addi %mul3A_274, %add3A_275 : i32
      %shift_right_logical3A_277 = arith.constant 3 : i32
      %shift_right_logical3A_278 = arith.shrui %add3A_276, %shift_right_logical3A_277 : i32
      %and3A_279 = arith.constant 7 : i32
      %and3A_280 = arith.andi %add3A_276, %and3A_279 : i32
      %mul3A_281 = arith.constant 64 : i32
      %mul3A_282 = arith.muli %and3A_280, %mul3A_281 : i32
      %dma_wait3A_283 = arith.constant 2 : i32
      %dma_wait3A_284 = arith.constant 2 : i32
      %dma_wait3A_285 = arith.constant 0 : i32
      %dma_wait3A_286 = arith.constant 0 : i32
      %dma_wait3A_287 = tpu.memref_slice %arg6[%dma_wait3A_283, %dma_wait3A_285, %dma_wait3A_286] : memref<8x64x128xf32, #tpu.memory_space<vmem>> -> memref<1x64x128xf32, #tpu.memory_space<vmem>>
      %dma_wait3A_288 = tpu.memref_squeeze %dma_wait3A_287 : memref<1x64x128xf32, #tpu.memory_space<vmem>> -> memref<64x128xf32, #tpu.memory_space<vmem>>
      %dma_wait3A_289 = tpu.memref_slice %arg5[%shift_right_logical3A_278, %mul3A_282] : memref<32x512xi32, #tpu.memory_space<vmem>> -> memref<1x64xi32, #tpu.memory_space<vmem>>
      %dma_wait3A_290 = tpu.memref_squeeze %dma_wait3A_289 : memref<1x64xi32, #tpu.memory_space<vmem>> -> memref<64xi32, #tpu.memory_space<vmem>>
      %dma_wait3A_291 = arith.constant 0 : i32
      %dma_wait3A_292 = arith.constant 0 : i32
      %dma_wait3A_293 = tpu.memref_slice %arg3[%dma_wait3A_291, %dma_wait3A_292] : memref<100000x128xf32, #tpu.memory_space<hbm>> -> memref<100000x128xf32, #tpu.memory_space<hbm>>
      %dma_wait3A_294 = tpu.memref_slice %arg7[%dma_wait3A_284] : memref<8x!tpu.dma_semaphore, #tpu.memory_space<semaphore_mem>> -> memref<1x!tpu.dma_semaphore, #tpu.memory_space<semaphore_mem>>
      %dma_wait3A_295 = tpu.memref_squeeze %dma_wait3A_294 : memref<1x!tpu.dma_semaphore, #tpu.memory_space<semaphore_mem>> -> memref<!tpu.dma_semaphore, #tpu.memory_space<semaphore_mem>>
      tpu.wait_indirect_dma semaphore(%dma_wait3A_295 : memref<!tpu.dma_semaphore, #tpu.memory_space<semaphore_mem>>) src(%dma_wait3A_293 : memref<100000x128xf32, #tpu.memory_space<hbm>>) dst(%dma_wait3A_288 : memref<64x128xf32, #tpu.memory_space<vmem>>)
      %shift_right_logical3A_296 = arith.constant 3 : i32
      %shift_right_logical3A_297 = arith.shrui %add3A_276, %shift_right_logical3A_296 : i32
      %and3A_298 = arith.constant 7 : i32
      %and3A_299 = arith.andi %add3A_276, %and3A_298 : i32
      %mul3A_300 = arith.constant 512 : i32
      %mul3A_301 = arith.muli %add3A, %mul3A_300 : i32
      %mul3A_302 = arith.constant 64 : i32
      %mul3A_303 = arith.muli %and3A_299, %mul3A_302 : i32
      %add3A_304 = arith.addi %mul3A_301, %mul3A_303 : i32
      %dma_start3A_305 = arith.constant 2 : i32
      %dma_start3A_306 = arith.constant 2 : i32
      %dma_start3A_307 = arith.constant 0 : i32
      %dma_start3A_308 = arith.constant 0 : i32
      %dma_start3A_309 = tpu.memref_slice %arg6[%dma_start3A_305, %dma_start3A_307, %dma_start3A_308] : memref<8x64x128xf32, #tpu.memory_space<vmem>> -> memref<1x64x128xf32, #tpu.memory_space<vmem>>
      %dma_start3A_310 = tpu.memref_squeeze %dma_start3A_309 : memref<1x64x128xf32, #tpu.memory_space<vmem>> -> memref<64x128xf32, #tpu.memory_space<vmem>>
      %dma_start3A_311 = arith.constant 0 : i32
      %dma_start3A_312 = tpu.memref_slice %arg4[%shift_right_logical3A_297, %add3A_304, %dma_start3A_311] : memref<26x16384x128xf32, #tpu.memory_space<hbm>> -> memref<1x64x128xf32, #tpu.memory_space<hbm>>
      %dma_start3A_313 = tpu.memref_squeeze %dma_start3A_312 : memref<1x64x128xf32, #tpu.memory_space<hbm>> -> memref<64x128xf32, #tpu.memory_space<hbm>>
      %dma_start3A_314 = tpu.memref_slice %arg8[%dma_start3A_306] : memref<8x!tpu.dma_semaphore, #tpu.memory_space<semaphore_mem>> -> memref<1x!tpu.dma_semaphore, #tpu.memory_space<semaphore_mem>>
      %dma_start3A_315 = tpu.memref_squeeze %dma_start3A_314 : memref<1x!tpu.dma_semaphore, #tpu.memory_space<semaphore_mem>> -> memref<!tpu.dma_semaphore, #tpu.memory_space<semaphore_mem>>
      %dma_start3A_316 = arith.constant 0 : i32
      %dma_start3A_317 = tpu.memref_slice %arg4[%shift_right_logical3A_297, %add3A_304, %dma_start3A_316] : memref<26x16384x128xf32, #tpu.memory_space<hbm>> -> memref<1x64x128xf32, #tpu.memory_space<hbm>>
      %dma_start3A_318 = tpu.memref_squeeze %dma_start3A_317 : memref<1x64x128xf32, #tpu.memory_space<hbm>> -> memref<64x128xf32, #tpu.memory_space<hbm>>
      %dma_start3A_319 = arith.constant 0 : i32
      %dma_start3A_320 = arith.constant 0 : i32
      %dma_start3A_321 = tpu.memref_slice %arg6[%dma_start3A_305, %dma_start3A_319, %dma_start3A_320] : memref<8x64x128xf32, #tpu.memory_space<vmem>> -> memref<1x64x128xf32, #tpu.memory_space<vmem>>
      %dma_start3A_322 = tpu.memref_squeeze %dma_start3A_321 : memref<1x64x128xf32, #tpu.memory_space<vmem>> -> memref<64x128xf32, #tpu.memory_space<vmem>>
      tpu.enqueue_dma source(%dma_start3A_322 : memref<64x128xf32, #tpu.memory_space<vmem>>) target(%dma_start3A_318 : memref<64x128xf32, #tpu.memory_space<hbm>>) target_semaphore(%dma_start3A_315 : memref<!tpu.dma_semaphore, #tpu.memory_space<semaphore_mem>>)
      %mul3A_323 = arith.constant 8 : i32
      %mul3A_324 = arith.muli %scan3A_173, %mul3A_323 : i32
      %add3A_325 = arith.constant 3 : i32
      %add3A_326 = arith.addi %mul3A_324, %add3A_325 : i32
      %shift_right_logical3A_327 = arith.constant 3 : i32
      %shift_right_logical3A_328 = arith.shrui %add3A_326, %shift_right_logical3A_327 : i32
      %and3A_329 = arith.constant 7 : i32
      %and3A_330 = arith.andi %add3A_326, %and3A_329 : i32
      %mul3A_331 = arith.constant 64 : i32
      %mul3A_332 = arith.muli %and3A_330, %mul3A_331 : i32
      %dma_wait3A_333 = arith.constant 3 : i32
      %dma_wait3A_334 = arith.constant 3 : i32
      %dma_wait3A_335 = arith.constant 0 : i32
      %dma_wait3A_336 = arith.constant 0 : i32
      %dma_wait3A_337 = tpu.memref_slice %arg6[%dma_wait3A_333, %dma_wait3A_335, %dma_wait3A_336] : memref<8x64x128xf32, #tpu.memory_space<vmem>> -> memref<1x64x128xf32, #tpu.memory_space<vmem>>
      %dma_wait3A_338 = tpu.memref_squeeze %dma_wait3A_337 : memref<1x64x128xf32, #tpu.memory_space<vmem>> -> memref<64x128xf32, #tpu.memory_space<vmem>>
      %dma_wait3A_339 = tpu.memref_slice %arg5[%shift_right_logical3A_328, %mul3A_332] : memref<32x512xi32, #tpu.memory_space<vmem>> -> memref<1x64xi32, #tpu.memory_space<vmem>>
      %dma_wait3A_340 = tpu.memref_squeeze %dma_wait3A_339 : memref<1x64xi32, #tpu.memory_space<vmem>> -> memref<64xi32, #tpu.memory_space<vmem>>
      %dma_wait3A_341 = arith.constant 0 : i32
      %dma_wait3A_342 = arith.constant 0 : i32
      %dma_wait3A_343 = tpu.memref_slice %arg3[%dma_wait3A_341, %dma_wait3A_342] : memref<100000x128xf32, #tpu.memory_space<hbm>> -> memref<100000x128xf32, #tpu.memory_space<hbm>>
      %dma_wait3A_344 = tpu.memref_slice %arg7[%dma_wait3A_334] : memref<8x!tpu.dma_semaphore, #tpu.memory_space<semaphore_mem>> -> memref<1x!tpu.dma_semaphore, #tpu.memory_space<semaphore_mem>>
      %dma_wait3A_345 = tpu.memref_squeeze %dma_wait3A_344 : memref<1x!tpu.dma_semaphore, #tpu.memory_space<semaphore_mem>> -> memref<!tpu.dma_semaphore, #tpu.memory_space<semaphore_mem>>
      tpu.wait_indirect_dma semaphore(%dma_wait3A_345 : memref<!tpu.dma_semaphore, #tpu.memory_space<semaphore_mem>>) src(%dma_wait3A_343 : memref<100000x128xf32, #tpu.memory_space<hbm>>) dst(%dma_wait3A_338 : memref<64x128xf32, #tpu.memory_space<vmem>>)
      %shift_right_logical3A_346 = arith.constant 3 : i32
      %shift_right_logical3A_347 = arith.shrui %add3A_326, %shift_right_logical3A_346 : i32
      %and3A_348 = arith.constant 7 : i32
      %and3A_349 = arith.andi %add3A_326, %and3A_348 : i32
      %mul3A_350 = arith.constant 512 : i32
      %mul3A_351 = arith.muli %add3A, %mul3A_350 : i32
      %mul3A_352 = arith.constant 64 : i32
      %mul3A_353 = arith.muli %and3A_349, %mul3A_352 : i32
      %add3A_354 = arith.addi %mul3A_351, %mul3A_353 : i32
      %dma_start3A_355 = arith.constant 3 : i32
      %dma_start3A_356 = arith.constant 3 : i32
      %dma_start3A_357 = arith.constant 0 : i32
      %dma_start3A_358 = arith.constant 0 : i32
      %dma_start3A_359 = tpu.memref_slice %arg6[%dma_start3A_355, %dma_start3A_357, %dma_start3A_358] : memref<8x64x128xf32, #tpu.memory_space<vmem>> -> memref<1x64x128xf32, #tpu.memory_space<vmem>>
      %dma_start3A_360 = tpu.memref_squeeze %dma_start3A_359 : memref<1x64x128xf32, #tpu.memory_space<vmem>> -> memref<64x128xf32, #tpu.memory_space<vmem>>
      %dma_start3A_361 = arith.constant 0 : i32
      %dma_start3A_362 = tpu.memref_slice %arg4[%shift_right_logical3A_347, %add3A_354, %dma_start3A_361] : memref<26x16384x128xf32, #tpu.memory_space<hbm>> -> memref<1x64x128xf32, #tpu.memory_space<hbm>>
      %dma_start3A_363 = tpu.memref_squeeze %dma_start3A_362 : memref<1x64x128xf32, #tpu.memory_space<hbm>> -> memref<64x128xf32, #tpu.memory_space<hbm>>
      %dma_start3A_364 = tpu.memref_slice %arg8[%dma_start3A_356] : memref<8x!tpu.dma_semaphore, #tpu.memory_space<semaphore_mem>> -> memref<1x!tpu.dma_semaphore, #tpu.memory_space<semaphore_mem>>
      %dma_start3A_365 = tpu.memref_squeeze %dma_start3A_364 : memref<1x!tpu.dma_semaphore, #tpu.memory_space<semaphore_mem>> -> memref<!tpu.dma_semaphore, #tpu.memory_space<semaphore_mem>>
      %dma_start3A_366 = arith.constant 0 : i32
      %dma_start3A_367 = tpu.memref_slice %arg4[%shift_right_logical3A_347, %add3A_354, %dma_start3A_366] : memref<26x16384x128xf32, #tpu.memory_space<hbm>> -> memref<1x64x128xf32, #tpu.memory_space<hbm>>
      %dma_start3A_368 = tpu.memref_squeeze %dma_start3A_367 : memref<1x64x128xf32, #tpu.memory_space<hbm>> -> memref<64x128xf32, #tpu.memory_space<hbm>>
      %dma_start3A_369 = arith.constant 0 : i32
      %dma_start3A_370 = arith.constant 0 : i32
      %dma_start3A_371 = tpu.memref_slice %arg6[%dma_start3A_355, %dma_start3A_369, %dma_start3A_370] : memref<8x64x128xf32, #tpu.memory_space<vmem>> -> memref<1x64x128xf32, #tpu.memory_space<vmem>>
      %dma_start3A_372 = tpu.memref_squeeze %dma_start3A_371 : memref<1x64x128xf32, #tpu.memory_space<vmem>> -> memref<64x128xf32, #tpu.memory_space<vmem>>
      tpu.enqueue_dma source(%dma_start3A_372 : memref<64x128xf32, #tpu.memory_space<vmem>>) target(%dma_start3A_368 : memref<64x128xf32, #tpu.memory_space<hbm>>) target_semaphore(%dma_start3A_365 : memref<!tpu.dma_semaphore, #tpu.memory_space<semaphore_mem>>)
      %mul3A_373 = arith.constant 8 : i32
      %mul3A_374 = arith.muli %scan3A_173, %mul3A_373 : i32
      %add3A_375 = arith.constant 4 : i32
      %add3A_376 = arith.addi %mul3A_374, %add3A_375 : i32
      %shift_right_logical3A_377 = arith.constant 3 : i32
      %shift_right_logical3A_378 = arith.shrui %add3A_376, %shift_right_logical3A_377 : i32
      %and3A_379 = arith.constant 7 : i32
      %and3A_380 = arith.andi %add3A_376, %and3A_379 : i32
      %mul3A_381 = arith.constant 64 : i32
      %mul3A_382 = arith.muli %and3A_380, %mul3A_381 : i32
      %dma_wait3A_383 = arith.constant 4 : i32
      %dma_wait3A_384 = arith.constant 4 : i32
      %dma_wait3A_385 = arith.constant 0 : i32
      %dma_wait3A_386 = arith.constant 0 : i32
      %dma_wait3A_387 = tpu.memref_slice %arg6[%dma_wait3A_383, %dma_wait3A_385, %dma_wait3A_386] : memref<8x64x128xf32, #tpu.memory_space<vmem>> -> memref<1x64x128xf32, #tpu.memory_space<vmem>>
      %dma_wait3A_388 = tpu.memref_squeeze %dma_wait3A_387 : memref<1x64x128xf32, #tpu.memory_space<vmem>> -> memref<64x128xf32, #tpu.memory_space<vmem>>
      %dma_wait3A_389 = tpu.memref_slice %arg5[%shift_right_logical3A_378, %mul3A_382] : memref<32x512xi32, #tpu.memory_space<vmem>> -> memref<1x64xi32, #tpu.memory_space<vmem>>
      %dma_wait3A_390 = tpu.memref_squeeze %dma_wait3A_389 : memref<1x64xi32, #tpu.memory_space<vmem>> -> memref<64xi32, #tpu.memory_space<vmem>>
      %dma_wait3A_391 = arith.constant 0 : i32
      %dma_wait3A_392 = arith.constant 0 : i32
      %dma_wait3A_393 = tpu.memref_slice %arg3[%dma_wait3A_391, %dma_wait3A_392] : memref<100000x128xf32, #tpu.memory_space<hbm>> -> memref<100000x128xf32, #tpu.memory_space<hbm>>
      %dma_wait3A_394 = tpu.memref_slice %arg7[%dma_wait3A_384] : memref<8x!tpu.dma_semaphore, #tpu.memory_space<semaphore_mem>> -> memref<1x!tpu.dma_semaphore, #tpu.memory_space<semaphore_mem>>
      %dma_wait3A_395 = tpu.memref_squeeze %dma_wait3A_394 : memref<1x!tpu.dma_semaphore, #tpu.memory_space<semaphore_mem>> -> memref<!tpu.dma_semaphore, #tpu.memory_space<semaphore_mem>>
      tpu.wait_indirect_dma semaphore(%dma_wait3A_395 : memref<!tpu.dma_semaphore, #tpu.memory_space<semaphore_mem>>) src(%dma_wait3A_393 : memref<100000x128xf32, #tpu.memory_space<hbm>>) dst(%dma_wait3A_388 : memref<64x128xf32, #tpu.memory_space<vmem>>)
      %shift_right_logical3A_396 = arith.constant 3 : i32
      %shift_right_logical3A_397 = arith.shrui %add3A_376, %shift_right_logical3A_396 : i32
      %and3A_398 = arith.constant 7 : i32
      %and3A_399 = arith.andi %add3A_376, %and3A_398 : i32
      %mul3A_400 = arith.constant 512 : i32
      %mul3A_401 = arith.muli %add3A, %mul3A_400 : i32
      %mul3A_402 = arith.constant 64 : i32
      %mul3A_403 = arith.muli %and3A_399, %mul3A_402 : i32
      %add3A_404 = arith.addi %mul3A_401, %mul3A_403 : i32
      %dma_start3A_405 = arith.constant 4 : i32
      %dma_start3A_406 = arith.constant 4 : i32
      %dma_start3A_407 = arith.constant 0 : i32
      %dma_start3A_408 = arith.constant 0 : i32
      %dma_start3A_409 = tpu.memref_slice %arg6[%dma_start3A_405, %dma_start3A_407, %dma_start3A_408] : memref<8x64x128xf32, #tpu.memory_space<vmem>> -> memref<1x64x128xf32, #tpu.memory_space<vmem>>
      %dma_start3A_410 = tpu.memref_squeeze %dma_start3A_409 : memref<1x64x128xf32, #tpu.memory_space<vmem>> -> memref<64x128xf32, #tpu.memory_space<vmem>>
      %dma_start3A_411 = arith.constant 0 : i32
      %dma_start3A_412 = tpu.memref_slice %arg4[%shift_right_logical3A_397, %add3A_404, %dma_start3A_411] : memref<26x16384x128xf32, #tpu.memory_space<hbm>> -> memref<1x64x128xf32, #tpu.memory_space<hbm>>
      %dma_start3A_413 = tpu.memref_squeeze %dma_start3A_412 : memref<1x64x128xf32, #tpu.memory_space<hbm>> -> memref<64x128xf32, #tpu.memory_space<hbm>>
      %dma_start3A_414 = tpu.memref_slice %arg8[%dma_start3A_406] : memref<8x!tpu.dma_semaphore, #tpu.memory_space<semaphore_mem>> -> memref<1x!tpu.dma_semaphore, #tpu.memory_space<semaphore_mem>>
      %dma_start3A_415 = tpu.memref_squeeze %dma_start3A_414 : memref<1x!tpu.dma_semaphore, #tpu.memory_space<semaphore_mem>> -> memref<!tpu.dma_semaphore, #tpu.memory_space<semaphore_mem>>
      %dma_start3A_416 = arith.constant 0 : i32
      %dma_start3A_417 = tpu.memref_slice %arg4[%shift_right_logical3A_397, %add3A_404, %dma_start3A_416] : memref<26x16384x128xf32, #tpu.memory_space<hbm>> -> memref<1x64x128xf32, #tpu.memory_space<hbm>>
      %dma_start3A_418 = tpu.memref_squeeze %dma_start3A_417 : memref<1x64x128xf32, #tpu.memory_space<hbm>> -> memref<64x128xf32, #tpu.memory_space<hbm>>
      %dma_start3A_419 = arith.constant 0 : i32
      %dma_start3A_420 = arith.constant 0 : i32
      %dma_start3A_421 = tpu.memref_slice %arg6[%dma_start3A_405, %dma_start3A_419, %dma_start3A_420] : memref<8x64x128xf32, #tpu.memory_space<vmem>> -> memref<1x64x128xf32, #tpu.memory_space<vmem>>
      %dma_start3A_422 = tpu.memref_squeeze %dma_start3A_421 : memref<1x64x128xf32, #tpu.memory_space<vmem>> -> memref<64x128xf32, #tpu.memory_space<vmem>>
      tpu.enqueue_dma source(%dma_start3A_422 : memref<64x128xf32, #tpu.memory_space<vmem>>) target(%dma_start3A_418 : memref<64x128xf32, #tpu.memory_space<hbm>>) target_semaphore(%dma_start3A_415 : memref<!tpu.dma_semaphore, #tpu.memory_space<semaphore_mem>>)
      %mul3A_423 = arith.constant 8 : i32
      %mul3A_424 = arith.muli %scan3A_173, %mul3A_423 : i32
      %add3A_425 = arith.constant 5 : i32
      %add3A_426 = arith.addi %mul3A_424, %add3A_425 : i32
      %shift_right_logical3A_427 = arith.constant 3 : i32
      %shift_right_logical3A_428 = arith.shrui %add3A_426, %shift_right_logical3A_427 : i32
      %and3A_429 = arith.constant 7 : i32
      %and3A_430 = arith.andi %add3A_426, %and3A_429 : i32
      %mul3A_431 = arith.constant 64 : i32
      %mul3A_432 = arith.muli %and3A_430, %mul3A_431 : i32
      %dma_wait3A_433 = arith.constant 5 : i32
      %dma_wait3A_434 = arith.constant 5 : i32
      %dma_wait3A_435 = arith.constant 0 : i32
      %dma_wait3A_436 = arith.constant 0 : i32
      %dma_wait3A_437 = tpu.memref_slice %arg6[%dma_wait3A_433, %dma_wait3A_435, %dma_wait3A_436] : memref<8x64x128xf32, #tpu.memory_space<vmem>> -> memref<1x64x128xf32, #tpu.memory_space<vmem>>
      %dma_wait3A_438 = tpu.memref_squeeze %dma_wait3A_437 : memref<1x64x128xf32, #tpu.memory_space<vmem>> -> memref<64x128xf32, #tpu.memory_space<vmem>>
      %dma_wait3A_439 = tpu.memref_slice %arg5[%shift_right_logical3A_428, %mul3A_432] : memref<32x512xi32, #tpu.memory_space<vmem>> -> memref<1x64xi32, #tpu.memory_space<vmem>>
      %dma_wait3A_440 = tpu.memref_squeeze %dma_wait3A_439 : memref<1x64xi32, #tpu.memory_space<vmem>> -> memref<64xi32, #tpu.memory_space<vmem>>
      %dma_wait3A_441 = arith.constant 0 : i32
      %dma_wait3A_442 = arith.constant 0 : i32
      %dma_wait3A_443 = tpu.memref_slice %arg3[%dma_wait3A_441, %dma_wait3A_442] : memref<100000x128xf32, #tpu.memory_space<hbm>> -> memref<100000x128xf32, #tpu.memory_space<hbm>>
      %dma_wait3A_444 = tpu.memref_slice %arg7[%dma_wait3A_434] : memref<8x!tpu.dma_semaphore, #tpu.memory_space<semaphore_mem>> -> memref<1x!tpu.dma_semaphore, #tpu.memory_space<semaphore_mem>>
      %dma_wait3A_445 = tpu.memref_squeeze %dma_wait3A_444 : memref<1x!tpu.dma_semaphore, #tpu.memory_space<semaphore_mem>> -> memref<!tpu.dma_semaphore, #tpu.memory_space<semaphore_mem>>
      tpu.wait_indirect_dma semaphore(%dma_wait3A_445 : memref<!tpu.dma_semaphore, #tpu.memory_space<semaphore_mem>>) src(%dma_wait3A_443 : memref<100000x128xf32, #tpu.memory_space<hbm>>) dst(%dma_wait3A_438 : memref<64x128xf32, #tpu.memory_space<vmem>>)
      %shift_right_logical3A_446 = arith.constant 3 : i32
      %shift_right_logical3A_447 = arith.shrui %add3A_426, %shift_right_logical3A_446 : i32
      %and3A_448 = arith.constant 7 : i32
      %and3A_449 = arith.andi %add3A_426, %and3A_448 : i32
      %mul3A_450 = arith.constant 512 : i32
      %mul3A_451 = arith.muli %add3A, %mul3A_450 : i32
      %mul3A_452 = arith.constant 64 : i32
      %mul3A_453 = arith.muli %and3A_449, %mul3A_452 : i32
      %add3A_454 = arith.addi %mul3A_451, %mul3A_453 : i32
      %dma_start3A_455 = arith.constant 5 : i32
      %dma_start3A_456 = arith.constant 5 : i32
      %dma_start3A_457 = arith.constant 0 : i32
      %dma_start3A_458 = arith.constant 0 : i32
      %dma_start3A_459 = tpu.memref_slice %arg6[%dma_start3A_455, %dma_start3A_457, %dma_start3A_458] : memref<8x64x128xf32, #tpu.memory_space<vmem>> -> memref<1x64x128xf32, #tpu.memory_space<vmem>>
      %dma_start3A_460 = tpu.memref_squeeze %dma_start3A_459 : memref<1x64x128xf32, #tpu.memory_space<vmem>> -> memref<64x128xf32, #tpu.memory_space<vmem>>
      %dma_start3A_461 = arith.constant 0 : i32
      %dma_start3A_462 = tpu.memref_slice %arg4[%shift_right_logical3A_447, %add3A_454, %dma_start3A_461] : memref<26x16384x128xf32, #tpu.memory_space<hbm>> -> memref<1x64x128xf32, #tpu.memory_space<hbm>>
      %dma_start3A_463 = tpu.memref_squeeze %dma_start3A_462 : memref<1x64x128xf32, #tpu.memory_space<hbm>> -> memref<64x128xf32, #tpu.memory_space<hbm>>
      %dma_start3A_464 = tpu.memref_slice %arg8[%dma_start3A_456] : memref<8x!tpu.dma_semaphore, #tpu.memory_space<semaphore_mem>> -> memref<1x!tpu.dma_semaphore, #tpu.memory_space<semaphore_mem>>
      %dma_start3A_465 = tpu.memref_squeeze %dma_start3A_464 : memref<1x!tpu.dma_semaphore, #tpu.memory_space<semaphore_mem>> -> memref<!tpu.dma_semaphore, #tpu.memory_space<semaphore_mem>>
      %dma_start3A_466 = arith.constant 0 : i32
      %dma_start3A_467 = tpu.memref_slice %arg4[%shift_right_logical3A_447, %add3A_454, %dma_start3A_466] : memref<26x16384x128xf32, #tpu.memory_space<hbm>> -> memref<1x64x128xf32, #tpu.memory_space<hbm>>
      %dma_start3A_468 = tpu.memref_squeeze %dma_start3A_467 : memref<1x64x128xf32, #tpu.memory_space<hbm>> -> memref<64x128xf32, #tpu.memory_space<hbm>>
      %dma_start3A_469 = arith.constant 0 : i32
      %dma_start3A_470 = arith.constant 0 : i32
      %dma_start3A_471 = tpu.memref_slice %arg6[%dma_start3A_455, %dma_start3A_469, %dma_start3A_470] : memref<8x64x128xf32, #tpu.memory_space<vmem>> -> memref<1x64x128xf32, #tpu.memory_space<vmem>>
      %dma_start3A_472 = tpu.memref_squeeze %dma_start3A_471 : memref<1x64x128xf32, #tpu.memory_space<vmem>> -> memref<64x128xf32, #tpu.memory_space<vmem>>
      tpu.enqueue_dma source(%dma_start3A_472 : memref<64x128xf32, #tpu.memory_space<vmem>>) target(%dma_start3A_468 : memref<64x128xf32, #tpu.memory_space<hbm>>) target_semaphore(%dma_start3A_465 : memref<!tpu.dma_semaphore, #tpu.memory_space<semaphore_mem>>)
      %mul3A_473 = arith.constant 8 : i32
      %mul3A_474 = arith.muli %scan3A_173, %mul3A_473 : i32
      %add3A_475 = arith.constant 6 : i32
      %add3A_476 = arith.addi %mul3A_474, %add3A_475 : i32
      %shift_right_logical3A_477 = arith.constant 3 : i32
      %shift_right_logical3A_478 = arith.shrui %add3A_476, %shift_right_logical3A_477 : i32
      %and3A_479 = arith.constant 7 : i32
      %and3A_480 = arith.andi %add3A_476, %and3A_479 : i32
      %mul3A_481 = arith.constant 64 : i32
      %mul3A_482 = arith.muli %and3A_480, %mul3A_481 : i32
      %dma_wait3A_483 = arith.constant 6 : i32
      %dma_wait3A_484 = arith.constant 6 : i32
      %dma_wait3A_485 = arith.constant 0 : i32
      %dma_wait3A_486 = arith.constant 0 : i32
      %dma_wait3A_487 = tpu.memref_slice %arg6[%dma_wait3A_483, %dma_wait3A_485, %dma_wait3A_486] : memref<8x64x128xf32, #tpu.memory_space<vmem>> -> memref<1x64x128xf32, #tpu.memory_space<vmem>>
      %dma_wait3A_488 = tpu.memref_squeeze %dma_wait3A_487 : memref<1x64x128xf32, #tpu.memory_space<vmem>> -> memref<64x128xf32, #tpu.memory_space<vmem>>
      %dma_wait3A_489 = tpu.memref_slice %arg5[%shift_right_logical3A_478, %mul3A_482] : memref<32x512xi32, #tpu.memory_space<vmem>> -> memref<1x64xi32, #tpu.memory_space<vmem>>
      %dma_wait3A_490 = tpu.memref_squeeze %dma_wait3A_489 : memref<1x64xi32, #tpu.memory_space<vmem>> -> memref<64xi32, #tpu.memory_space<vmem>>
      %dma_wait3A_491 = arith.constant 0 : i32
      %dma_wait3A_492 = arith.constant 0 : i32
      %dma_wait3A_493 = tpu.memref_slice %arg3[%dma_wait3A_491, %dma_wait3A_492] : memref<100000x128xf32, #tpu.memory_space<hbm>> -> memref<100000x128xf32, #tpu.memory_space<hbm>>
      %dma_wait3A_494 = tpu.memref_slice %arg7[%dma_wait3A_484] : memref<8x!tpu.dma_semaphore, #tpu.memory_space<semaphore_mem>> -> memref<1x!tpu.dma_semaphore, #tpu.memory_space<semaphore_mem>>
      %dma_wait3A_495 = tpu.memref_squeeze %dma_wait3A_494 : memref<1x!tpu.dma_semaphore, #tpu.memory_space<semaphore_mem>> -> memref<!tpu.dma_semaphore, #tpu.memory_space<semaphore_mem>>
      tpu.wait_indirect_dma semaphore(%dma_wait3A_495 : memref<!tpu.dma_semaphore, #tpu.memory_space<semaphore_mem>>) src(%dma_wait3A_493 : memref<100000x128xf32, #tpu.memory_space<hbm>>) dst(%dma_wait3A_488 : memref<64x128xf32, #tpu.memory_space<vmem>>)
      %shift_right_logical3A_496 = arith.constant 3 : i32
      %shift_right_logical3A_497 = arith.shrui %add3A_476, %shift_right_logical3A_496 : i32
      %and3A_498 = arith.constant 7 : i32
      %and3A_499 = arith.andi %add3A_476, %and3A_498 : i32
      %mul3A_500 = arith.constant 512 : i32
      %mul3A_501 = arith.muli %add3A, %mul3A_500 : i32
      %mul3A_502 = arith.constant 64 : i32
      %mul3A_503 = arith.muli %and3A_499, %mul3A_502 : i32
      %add3A_504 = arith.addi %mul3A_501, %mul3A_503 : i32
      %dma_start3A_505 = arith.constant 6 : i32
      %dma_start3A_506 = arith.constant 6 : i32
      %dma_start3A_507 = arith.constant 0 : i32
      %dma_start3A_508 = arith.constant 0 : i32
      %dma_start3A_509 = tpu.memref_slice %arg6[%dma_start3A_505, %dma_start3A_507, %dma_start3A_508] : memref<8x64x128xf32, #tpu.memory_space<vmem>> -> memref<1x64x128xf32, #tpu.memory_space<vmem>>
      %dma_start3A_510 = tpu.memref_squeeze %dma_start3A_509 : memref<1x64x128xf32, #tpu.memory_space<vmem>> -> memref<64x128xf32, #tpu.memory_space<vmem>>
      %dma_start3A_511 = arith.constant 0 : i32
      %dma_start3A_512 = tpu.memref_slice %arg4[%shift_right_logical3A_497, %add3A_504, %dma_start3A_511] : memref<26x16384x128xf32, #tpu.memory_space<hbm>> -> memref<1x64x128xf32, #tpu.memory_space<hbm>>
      %dma_start3A_513 = tpu.memref_squeeze %dma_start3A_512 : memref<1x64x128xf32, #tpu.memory_space<hbm>> -> memref<64x128xf32, #tpu.memory_space<hbm>>
      %dma_start3A_514 = tpu.memref_slice %arg8[%dma_start3A_506] : memref<8x!tpu.dma_semaphore, #tpu.memory_space<semaphore_mem>> -> memref<1x!tpu.dma_semaphore, #tpu.memory_space<semaphore_mem>>
      %dma_start3A_515 = tpu.memref_squeeze %dma_start3A_514 : memref<1x!tpu.dma_semaphore, #tpu.memory_space<semaphore_mem>> -> memref<!tpu.dma_semaphore, #tpu.memory_space<semaphore_mem>>
      %dma_start3A_516 = arith.constant 0 : i32
      %dma_start3A_517 = tpu.memref_slice %arg4[%shift_right_logical3A_497, %add3A_504, %dma_start3A_516] : memref<26x16384x128xf32, #tpu.memory_space<hbm>> -> memref<1x64x128xf32, #tpu.memory_space<hbm>>
      %dma_start3A_518 = tpu.memref_squeeze %dma_start3A_517 : memref<1x64x128xf32, #tpu.memory_space<hbm>> -> memref<64x128xf32, #tpu.memory_space<hbm>>
      %dma_start3A_519 = arith.constant 0 : i32
      %dma_start3A_520 = arith.constant 0 : i32
      %dma_start3A_521 = tpu.memref_slice %arg6[%dma_start3A_505, %dma_start3A_519, %dma_start3A_520] : memref<8x64x128xf32, #tpu.memory_space<vmem>> -> memref<1x64x128xf32, #tpu.memory_space<vmem>>
      %dma_start3A_522 = tpu.memref_squeeze %dma_start3A_521 : memref<1x64x128xf32, #tpu.memory_space<vmem>> -> memref<64x128xf32, #tpu.memory_space<vmem>>
      tpu.enqueue_dma source(%dma_start3A_522 : memref<64x128xf32, #tpu.memory_space<vmem>>) target(%dma_start3A_518 : memref<64x128xf32, #tpu.memory_space<hbm>>) target_semaphore(%dma_start3A_515 : memref<!tpu.dma_semaphore, #tpu.memory_space<semaphore_mem>>)
      %mul3A_523 = arith.constant 8 : i32
      %mul3A_524 = arith.muli %scan3A_173, %mul3A_523 : i32
      %add3A_525 = arith.constant 7 : i32
      %add3A_526 = arith.addi %mul3A_524, %add3A_525 : i32
      %shift_right_logical3A_527 = arith.constant 3 : i32
      %shift_right_logical3A_528 = arith.shrui %add3A_526, %shift_right_logical3A_527 : i32
      %and3A_529 = arith.constant 7 : i32
      %and3A_530 = arith.andi %add3A_526, %and3A_529 : i32
      %mul3A_531 = arith.constant 64 : i32
      %mul3A_532 = arith.muli %and3A_530, %mul3A_531 : i32
      %dma_wait3A_533 = arith.constant 7 : i32
      %dma_wait3A_534 = arith.constant 7 : i32
      %dma_wait3A_535 = arith.constant 0 : i32
      %dma_wait3A_536 = arith.constant 0 : i32
      %dma_wait3A_537 = tpu.memref_slice %arg6[%dma_wait3A_533, %dma_wait3A_535, %dma_wait3A_536] : memref<8x64x128xf32, #tpu.memory_space<vmem>> -> memref<1x64x128xf32, #tpu.memory_space<vmem>>
      %dma_wait3A_538 = tpu.memref_squeeze %dma_wait3A_537 : memref<1x64x128xf32, #tpu.memory_space<vmem>> -> memref<64x128xf32, #tpu.memory_space<vmem>>
      %dma_wait3A_539 = tpu.memref_slice %arg5[%shift_right_logical3A_528, %mul3A_532] : memref<32x512xi32, #tpu.memory_space<vmem>> -> memref<1x64xi32, #tpu.memory_space<vmem>>
      %dma_wait3A_540 = tpu.memref_squeeze %dma_wait3A_539 : memref<1x64xi32, #tpu.memory_space<vmem>> -> memref<64xi32, #tpu.memory_space<vmem>>
      %dma_wait3A_541 = arith.constant 0 : i32
      %dma_wait3A_542 = arith.constant 0 : i32
      %dma_wait3A_543 = tpu.memref_slice %arg3[%dma_wait3A_541, %dma_wait3A_542] : memref<100000x128xf32, #tpu.memory_space<hbm>> -> memref<100000x128xf32, #tpu.memory_space<hbm>>
      %dma_wait3A_544 = tpu.memref_slice %arg7[%dma_wait3A_534] : memref<8x!tpu.dma_semaphore, #tpu.memory_space<semaphore_mem>> -> memref<1x!tpu.dma_semaphore, #tpu.memory_space<semaphore_mem>>
      %dma_wait3A_545 = tpu.memref_squeeze %dma_wait3A_544 : memref<1x!tpu.dma_semaphore, #tpu.memory_space<semaphore_mem>> -> memref<!tpu.dma_semaphore, #tpu.memory_space<semaphore_mem>>
      tpu.wait_indirect_dma semaphore(%dma_wait3A_545 : memref<!tpu.dma_semaphore, #tpu.memory_space<semaphore_mem>>) src(%dma_wait3A_543 : memref<100000x128xf32, #tpu.memory_space<hbm>>) dst(%dma_wait3A_538 : memref<64x128xf32, #tpu.memory_space<vmem>>)
      %shift_right_logical3A_546 = arith.constant 3 : i32
      %shift_right_logical3A_547 = arith.shrui %add3A_526, %shift_right_logical3A_546 : i32
      %and3A_548 = arith.constant 7 : i32
      %and3A_549 = arith.andi %add3A_526, %and3A_548 : i32
      %mul3A_550 = arith.constant 512 : i32
      %mul3A_551 = arith.muli %add3A, %mul3A_550 : i32
      %mul3A_552 = arith.constant 64 : i32
      %mul3A_553 = arith.muli %and3A_549, %mul3A_552 : i32
      %add3A_554 = arith.addi %mul3A_551, %mul3A_553 : i32
      %dma_start3A_555 = arith.constant 7 : i32
      %dma_start3A_556 = arith.constant 7 : i32
      %dma_start3A_557 = arith.constant 0 : i32
      %dma_start3A_558 = arith.constant 0 : i32
      %dma_start3A_559 = tpu.memref_slice %arg6[%dma_start3A_555, %dma_start3A_557, %dma_start3A_558] : memref<8x64x128xf32, #tpu.memory_space<vmem>> -> memref<1x64x128xf32, #tpu.memory_space<vmem>>
      %dma_start3A_560 = tpu.memref_squeeze %dma_start3A_559 : memref<1x64x128xf32, #tpu.memory_space<vmem>> -> memref<64x128xf32, #tpu.memory_space<vmem>>
      %dma_start3A_561 = arith.constant 0 : i32
      %dma_start3A_562 = tpu.memref_slice %arg4[%shift_right_logical3A_547, %add3A_554, %dma_start3A_561] : memref<26x16384x128xf32, #tpu.memory_space<hbm>> -> memref<1x64x128xf32, #tpu.memory_space<hbm>>
      %dma_start3A_563 = tpu.memref_squeeze %dma_start3A_562 : memref<1x64x128xf32, #tpu.memory_space<hbm>> -> memref<64x128xf32, #tpu.memory_space<hbm>>
      %dma_start3A_564 = tpu.memref_slice %arg8[%dma_start3A_556] : memref<8x!tpu.dma_semaphore, #tpu.memory_space<semaphore_mem>> -> memref<1x!tpu.dma_semaphore, #tpu.memory_space<semaphore_mem>>
      %dma_start3A_565 = tpu.memref_squeeze %dma_start3A_564 : memref<1x!tpu.dma_semaphore, #tpu.memory_space<semaphore_mem>> -> memref<!tpu.dma_semaphore, #tpu.memory_space<semaphore_mem>>
      %dma_start3A_566 = arith.constant 0 : i32
      %dma_start3A_567 = tpu.memref_slice %arg4[%shift_right_logical3A_547, %add3A_554, %dma_start3A_566] : memref<26x16384x128xf32, #tpu.memory_space<hbm>> -> memref<1x64x128xf32, #tpu.memory_space<hbm>>
      %dma_start3A_568 = tpu.memref_squeeze %dma_start3A_567 : memref<1x64x128xf32, #tpu.memory_space<hbm>> -> memref<64x128xf32, #tpu.memory_space<hbm>>
      %dma_start3A_569 = arith.constant 0 : i32
      %dma_start3A_570 = arith.constant 0 : i32
      %dma_start3A_571 = tpu.memref_slice %arg6[%dma_start3A_555, %dma_start3A_569, %dma_start3A_570] : memref<8x64x128xf32, #tpu.memory_space<vmem>> -> memref<1x64x128xf32, #tpu.memory_space<vmem>>
      %dma_start3A_572 = tpu.memref_squeeze %dma_start3A_571 : memref<1x64x128xf32, #tpu.memory_space<vmem>> -> memref<64x128xf32, #tpu.memory_space<vmem>>
      tpu.enqueue_dma source(%dma_start3A_572 : memref<64x128xf32, #tpu.memory_space<vmem>>) target(%dma_start3A_568 : memref<64x128xf32, #tpu.memory_space<hbm>>) target_semaphore(%dma_start3A_565 : memref<!tpu.dma_semaphore, #tpu.memory_space<semaphore_mem>>)
      %mul3A_573 = arith.constant 8 : i32
      %mul3A_574 = arith.muli %scan3A_173, %mul3A_573 : i32
      %add3A_575 = arith.constant 0 : i32
      %add3A_576 = arith.addi %mul3A_574, %add3A_575 : i32
      %shift_right_logical3A_577 = arith.constant 3 : i32
      %shift_right_logical3A_578 = arith.shrui %add3A_576, %shift_right_logical3A_577 : i32
      %and3A_579 = arith.constant 7 : i32
      %and3A_580 = arith.andi %add3A_576, %and3A_579 : i32
      %mul3A_581 = arith.constant 512 : i32
      %mul3A_582 = arith.muli %add3A, %mul3A_581 : i32
      %mul3A_583 = arith.constant 64 : i32
      %mul3A_584 = arith.muli %and3A_580, %mul3A_583 : i32
      %add3A_585 = arith.addi %mul3A_582, %mul3A_584 : i32
      %dma_wait3A_586 = arith.constant 0 : i32
      %dma_wait3A_587 = arith.constant 0 : i32
      %dma_wait3A_588 = arith.constant 0 : i32
      %dma_wait3A_589 = arith.constant 0 : i32
      %dma_wait3A_590 = tpu.memref_slice %arg6[%dma_wait3A_586, %dma_wait3A_588, %dma_wait3A_589] : memref<8x64x128xf32, #tpu.memory_space<vmem>> -> memref<1x64x128xf32, #tpu.memory_space<vmem>>
      %dma_wait3A_591 = tpu.memref_squeeze %dma_wait3A_590 : memref<1x64x128xf32, #tpu.memory_space<vmem>> -> memref<64x128xf32, #tpu.memory_space<vmem>>
      %dma_wait3A_592 = arith.constant 0 : i32
      %dma_wait3A_593 = tpu.memref_slice %arg4[%shift_right_logical3A_578, %add3A_585, %dma_wait3A_592] : memref<26x16384x128xf32, #tpu.memory_space<hbm>> -> memref<1x64x128xf32, #tpu.memory_space<hbm>>
      %dma_wait3A_594 = tpu.memref_squeeze %dma_wait3A_593 : memref<1x64x128xf32, #tpu.memory_space<hbm>> -> memref<64x128xf32, #tpu.memory_space<hbm>>
      %dma_wait3A_595 = tpu.memref_slice %arg8[%dma_wait3A_587] : memref<8x!tpu.dma_semaphore, #tpu.memory_space<semaphore_mem>> -> memref<1x!tpu.dma_semaphore, #tpu.memory_space<semaphore_mem>>
      %dma_wait3A_596 = tpu.memref_squeeze %dma_wait3A_595 : memref<1x!tpu.dma_semaphore, #tpu.memory_space<semaphore_mem>> -> memref<!tpu.dma_semaphore, #tpu.memory_space<semaphore_mem>>
      %dma_wait3A_597 = arith.constant 0 : i32
      %dma_wait3A_598 = tpu.memref_slice %arg4[%shift_right_logical3A_578, %add3A_585, %dma_wait3A_597] : memref<26x16384x128xf32, #tpu.memory_space<hbm>> -> memref<1x64x128xf32, #tpu.memory_space<hbm>>
      %dma_wait3A_599 = tpu.memref_squeeze %dma_wait3A_598 : memref<1x64x128xf32, #tpu.memory_space<hbm>> -> memref<64x128xf32, #tpu.memory_space<hbm>>
      %dma_wait3A_600 = arith.constant 0 : i32
      %dma_wait3A_601 = arith.constant 0 : i32
      %dma_wait3A_602 = tpu.memref_slice %arg6[%dma_wait3A_586, %dma_wait3A_600, %dma_wait3A_601] : memref<8x64x128xf32, #tpu.memory_space<vmem>> -> memref<1x64x128xf32, #tpu.memory_space<vmem>>
      %dma_wait3A_603 = tpu.memref_squeeze %dma_wait3A_602 : memref<1x64x128xf32, #tpu.memory_space<vmem>> -> memref<64x128xf32, #tpu.memory_space<vmem>>
      tpu.wait_dma2 semaphore(%dma_wait3A_596 : memref<!tpu.dma_semaphore, #tpu.memory_space<semaphore_mem>>) src(%dma_wait3A_603 : memref<64x128xf32, #tpu.memory_space<vmem>>) dst(%dma_wait3A_599 : memref<64x128xf32, #tpu.memory_space<hbm>>)
      %add3A_604 = arith.constant 1 : i32
      %add3A_605 = arith.addi %scan3A_173, %add3A_604 : i32
      %lt3A = arith.constant 26 : i32
      %lt3A_606 = arith.cmpi slt, %add3A_605, %lt3A : i32
      %convert_element_type3A = arith.extui %lt3A_606 : i1 to i32
      %cond3A = arith.constant 0 : i32
      %cond3A_607 = arith.cmpi ne, %convert_element_type3A, %cond3A : i32
      scf.if %cond3A_607 {
        %add3A_874 = arith.constant 1 : i32
        %add3A_875 = arith.addi %scan3A_173, %add3A_874 : i32
        %mul3A_876 = arith.constant 8 : i32
        %mul3A_877 = arith.muli %add3A_875, %mul3A_876 : i32
        %add3A_878 = arith.constant 0 : i32
        %add3A_879 = arith.addi %mul3A_877, %add3A_878 : i32
        %shift_right_logical3A_880 = arith.constant 3 : i32
        %shift_right_logical3A_881 = arith.shrui %add3A_879, %shift_right_logical3A_880 : i32
        %and3A_882 = arith.constant 7 : i32
        %and3A_883 = arith.andi %add3A_879, %and3A_882 : i32
        %mul3A_884 = arith.constant 64 : i32
        %mul3A_885 = arith.muli %and3A_883, %mul3A_884 : i32
        %dma_start3A_886 = arith.constant 0 : i32
        %dma_start3A_887 = arith.constant 0 : i32
        %dma_start3A_888 = arith.constant 0 : i32
        %dma_start3A_889 = arith.constant 0 : i32
        %dma_start3A_890 = tpu.memref_slice %arg6[%dma_start3A_886, %dma_start3A_888, %dma_start3A_889] : memref<8x64x128xf32, #tpu.memory_space<vmem>> -> memref<1x64x128xf32, #tpu.memory_space<vmem>>
        %dma_start3A_891 = tpu.memref_squeeze %dma_start3A_890 : memref<1x64x128xf32, #tpu.memory_space<vmem>> -> memref<64x128xf32, #tpu.memory_space<vmem>>
        %dma_start3A_892 = tpu.memref_slice %arg5[%shift_right_logical3A_881, %mul3A_885] : memref<32x512xi32, #tpu.memory_space<vmem>> -> memref<1x64xi32, #tpu.memory_space<vmem>>
        %dma_start3A_893 = tpu.memref_squeeze %dma_start3A_892 : memref<1x64xi32, #tpu.memory_space<vmem>> -> memref<64xi32, #tpu.memory_space<vmem>>
        %dma_start3A_894 = arith.constant 0 : i32
        %dma_start3A_895 = arith.constant 0 : i32
        %dma_start3A_896 = tpu.memref_slice %arg3[%dma_start3A_894, %dma_start3A_895] : memref<100000x128xf32, #tpu.memory_space<hbm>> -> memref<100000x128xf32, #tpu.memory_space<hbm>>
        %dma_start3A_897 = tpu.memref_slice %arg7[%dma_start3A_887] : memref<8x!tpu.dma_semaphore, #tpu.memory_space<semaphore_mem>> -> memref<1x!tpu.dma_semaphore, #tpu.memory_space<semaphore_mem>>
        %dma_start3A_898 = tpu.memref_squeeze %dma_start3A_897 : memref<1x!tpu.dma_semaphore, #tpu.memory_space<semaphore_mem>> -> memref<!tpu.dma_semaphore, #tpu.memory_space<semaphore_mem>>
        tpu.enqueue_indirect_dma source(%dma_start3A_896 : memref<100000x128xf32, #tpu.memory_space<hbm>>) target(%dma_start3A_891 : memref<64x128xf32, #tpu.memory_space<vmem>>) offsets(%dma_start3A_893 : memref<64xi32, #tpu.memory_space<vmem>>) semaphore(%dma_start3A_898 : memref<!tpu.dma_semaphore, #tpu.memory_space<semaphore_mem>>)
      } else {
      }
      %mul3A_608 = arith.constant 8 : i32
      %mul3A_609 = arith.muli %scan3A_173, %mul3A_608 : i32
      %add3A_610 = arith.constant 1 : i32
      %add3A_611 = arith.addi %mul3A_609, %add3A_610 : i32
      %shift_right_logical3A_612 = arith.constant 3 : i32
      %shift_right_logical3A_613 = arith.shrui %add3A_611, %shift_right_logical3A_612 : i32
      %and3A_614 = arith.constant 7 : i32
      %and3A_615 = arith.andi %add3A_611, %and3A_614 : i32
      %mul3A_616 = arith.constant 512 : i32
      %mul3A_617 = arith.muli %add3A, %mul3A_616 : i32
      %mul3A_618 = arith.constant 64 : i32
      %mul3A_619 = arith.muli %and3A_615, %mul3A_618 : i32
      %add3A_620 = arith.addi %mul3A_617, %mul3A_619 : i32
      %dma_wait3A_621 = arith.constant 1 : i32
      %dma_wait3A_622 = arith.constant 1 : i32
      %dma_wait3A_623 = arith.constant 0 : i32
      %dma_wait3A_624 = arith.constant 0 : i32
      %dma_wait3A_625 = tpu.memref_slice %arg6[%dma_wait3A_621, %dma_wait3A_623, %dma_wait3A_624] : memref<8x64x128xf32, #tpu.memory_space<vmem>> -> memref<1x64x128xf32, #tpu.memory_space<vmem>>
      %dma_wait3A_626 = tpu.memref_squeeze %dma_wait3A_625 : memref<1x64x128xf32, #tpu.memory_space<vmem>> -> memref<64x128xf32, #tpu.memory_space<vmem>>
      %dma_wait3A_627 = arith.constant 0 : i32
      %dma_wait3A_628 = tpu.memref_slice %arg4[%shift_right_logical3A_613, %add3A_620, %dma_wait3A_627] : memref<26x16384x128xf32, #tpu.memory_space<hbm>> -> memref<1x64x128xf32, #tpu.memory_space<hbm>>
      %dma_wait3A_629 = tpu.memref_squeeze %dma_wait3A_628 : memref<1x64x128xf32, #tpu.memory_space<hbm>> -> memref<64x128xf32, #tpu.memory_space<hbm>>
      %dma_wait3A_630 = tpu.memref_slice %arg8[%dma_wait3A_622] : memref<8x!tpu.dma_semaphore, #tpu.memory_space<semaphore_mem>> -> memref<1x!tpu.dma_semaphore, #tpu.memory_space<semaphore_mem>>
      %dma_wait3A_631 = tpu.memref_squeeze %dma_wait3A_630 : memref<1x!tpu.dma_semaphore, #tpu.memory_space<semaphore_mem>> -> memref<!tpu.dma_semaphore, #tpu.memory_space<semaphore_mem>>
      %dma_wait3A_632 = arith.constant 0 : i32
      %dma_wait3A_633 = tpu.memref_slice %arg4[%shift_right_logical3A_613, %add3A_620, %dma_wait3A_632] : memref<26x16384x128xf32, #tpu.memory_space<hbm>> -> memref<1x64x128xf32, #tpu.memory_space<hbm>>
      %dma_wait3A_634 = tpu.memref_squeeze %dma_wait3A_633 : memref<1x64x128xf32, #tpu.memory_space<hbm>> -> memref<64x128xf32, #tpu.memory_space<hbm>>
      %dma_wait3A_635 = arith.constant 0 : i32
      %dma_wait3A_636 = arith.constant 0 : i32
      %dma_wait3A_637 = tpu.memref_slice %arg6[%dma_wait3A_621, %dma_wait3A_635, %dma_wait3A_636] : memref<8x64x128xf32, #tpu.memory_space<vmem>> -> memref<1x64x128xf32, #tpu.memory_space<vmem>>
      %dma_wait3A_638 = tpu.memref_squeeze %dma_wait3A_637 : memref<1x64x128xf32, #tpu.memory_space<vmem>> -> memref<64x128xf32, #tpu.memory_space<vmem>>
      tpu.wait_dma2 semaphore(%dma_wait3A_631 : memref<!tpu.dma_semaphore, #tpu.memory_space<semaphore_mem>>) src(%dma_wait3A_638 : memref<64x128xf32, #tpu.memory_space<vmem>>) dst(%dma_wait3A_634 : memref<64x128xf32, #tpu.memory_space<hbm>>)
      %add3A_639 = arith.constant 1 : i32
      %add3A_640 = arith.addi %scan3A_173, %add3A_639 : i32
      %lt3A_641 = arith.constant 26 : i32
      %lt3A_642 = arith.cmpi slt, %add3A_640, %lt3A_641 : i32
      %convert_element_type3A_643 = arith.extui %lt3A_642 : i1 to i32
      %cond3A_644 = arith.constant 0 : i32
      %cond3A_645 = arith.cmpi ne, %convert_element_type3A_643, %cond3A_644 : i32
      scf.if %cond3A_645 {
        %add3A_874 = arith.constant 1 : i32
        %add3A_875 = arith.addi %scan3A_173, %add3A_874 : i32
        %mul3A_876 = arith.constant 8 : i32
        %mul3A_877 = arith.muli %add3A_875, %mul3A_876 : i32
        %add3A_878 = arith.constant 1 : i32
        %add3A_879 = arith.addi %mul3A_877, %add3A_878 : i32
        %shift_right_logical3A_880 = arith.constant 3 : i32
        %shift_right_logical3A_881 = arith.shrui %add3A_879, %shift_right_logical3A_880 : i32
        %and3A_882 = arith.constant 7 : i32
        %and3A_883 = arith.andi %add3A_879, %and3A_882 : i32
        %mul3A_884 = arith.constant 64 : i32
        %mul3A_885 = arith.muli %and3A_883, %mul3A_884 : i32
        %dma_start3A_886 = arith.constant 1 : i32
        %dma_start3A_887 = arith.constant 1 : i32
        %dma_start3A_888 = arith.constant 0 : i32
        %dma_start3A_889 = arith.constant 0 : i32
        %dma_start3A_890 = tpu.memref_slice %arg6[%dma_start3A_886, %dma_start3A_888, %dma_start3A_889] : memref<8x64x128xf32, #tpu.memory_space<vmem>> -> memref<1x64x128xf32, #tpu.memory_space<vmem>>
        %dma_start3A_891 = tpu.memref_squeeze %dma_start3A_890 : memref<1x64x128xf32, #tpu.memory_space<vmem>> -> memref<64x128xf32, #tpu.memory_space<vmem>>
        %dma_start3A_892 = tpu.memref_slice %arg5[%shift_right_logical3A_881, %mul3A_885] : memref<32x512xi32, #tpu.memory_space<vmem>> -> memref<1x64xi32, #tpu.memory_space<vmem>>
        %dma_start3A_893 = tpu.memref_squeeze %dma_start3A_892 : memref<1x64xi32, #tpu.memory_space<vmem>> -> memref<64xi32, #tpu.memory_space<vmem>>
        %dma_start3A_894 = arith.constant 0 : i32
        %dma_start3A_895 = arith.constant 0 : i32
        %dma_start3A_896 = tpu.memref_slice %arg3[%dma_start3A_894, %dma_start3A_895] : memref<100000x128xf32, #tpu.memory_space<hbm>> -> memref<100000x128xf32, #tpu.memory_space<hbm>>
        %dma_start3A_897 = tpu.memref_slice %arg7[%dma_start3A_887] : memref<8x!tpu.dma_semaphore, #tpu.memory_space<semaphore_mem>> -> memref<1x!tpu.dma_semaphore, #tpu.memory_space<semaphore_mem>>
        %dma_start3A_898 = tpu.memref_squeeze %dma_start3A_897 : memref<1x!tpu.dma_semaphore, #tpu.memory_space<semaphore_mem>> -> memref<!tpu.dma_semaphore, #tpu.memory_space<semaphore_mem>>
        tpu.enqueue_indirect_dma source(%dma_start3A_896 : memref<100000x128xf32, #tpu.memory_space<hbm>>) target(%dma_start3A_891 : memref<64x128xf32, #tpu.memory_space<vmem>>) offsets(%dma_start3A_893 : memref<64xi32, #tpu.memory_space<vmem>>) semaphore(%dma_start3A_898 : memref<!tpu.dma_semaphore, #tpu.memory_space<semaphore_mem>>)
      } else {
      }
      %mul3A_646 = arith.constant 8 : i32
      %mul3A_647 = arith.muli %scan3A_173, %mul3A_646 : i32
      %add3A_648 = arith.constant 2 : i32
      %add3A_649 = arith.addi %mul3A_647, %add3A_648 : i32
      %shift_right_logical3A_650 = arith.constant 3 : i32
      %shift_right_logical3A_651 = arith.shrui %add3A_649, %shift_right_logical3A_650 : i32
      %and3A_652 = arith.constant 7 : i32
      %and3A_653 = arith.andi %add3A_649, %and3A_652 : i32
      %mul3A_654 = arith.constant 512 : i32
      %mul3A_655 = arith.muli %add3A, %mul3A_654 : i32
      %mul3A_656 = arith.constant 64 : i32
      %mul3A_657 = arith.muli %and3A_653, %mul3A_656 : i32
      %add3A_658 = arith.addi %mul3A_655, %mul3A_657 : i32
      %dma_wait3A_659 = arith.constant 2 : i32
      %dma_wait3A_660 = arith.constant 2 : i32
      %dma_wait3A_661 = arith.constant 0 : i32
      %dma_wait3A_662 = arith.constant 0 : i32
      %dma_wait3A_663 = tpu.memref_slice %arg6[%dma_wait3A_659, %dma_wait3A_661, %dma_wait3A_662] : memref<8x64x128xf32, #tpu.memory_space<vmem>> -> memref<1x64x128xf32, #tpu.memory_space<vmem>>
      %dma_wait3A_664 = tpu.memref_squeeze %dma_wait3A_663 : memref<1x64x128xf32, #tpu.memory_space<vmem>> -> memref<64x128xf32, #tpu.memory_space<vmem>>
      %dma_wait3A_665 = arith.constant 0 : i32
      %dma_wait3A_666 = tpu.memref_slice %arg4[%shift_right_logical3A_651, %add3A_658, %dma_wait3A_665] : memref<26x16384x128xf32, #tpu.memory_space<hbm>> -> memref<1x64x128xf32, #tpu.memory_space<hbm>>
      %dma_wait3A_667 = tpu.memref_squeeze %dma_wait3A_666 : memref<1x64x128xf32, #tpu.memory_space<hbm>> -> memref<64x128xf32, #tpu.memory_space<hbm>>
      %dma_wait3A_668 = tpu.memref_slice %arg8[%dma_wait3A_660] : memref<8x!tpu.dma_semaphore, #tpu.memory_space<semaphore_mem>> -> memref<1x!tpu.dma_semaphore, #tpu.memory_space<semaphore_mem>>
      %dma_wait3A_669 = tpu.memref_squeeze %dma_wait3A_668 : memref<1x!tpu.dma_semaphore, #tpu.memory_space<semaphore_mem>> -> memref<!tpu.dma_semaphore, #tpu.memory_space<semaphore_mem>>
      %dma_wait3A_670 = arith.constant 0 : i32
      %dma_wait3A_671 = tpu.memref_slice %arg4[%shift_right_logical3A_651, %add3A_658, %dma_wait3A_670] : memref<26x16384x128xf32, #tpu.memory_space<hbm>> -> memref<1x64x128xf32, #tpu.memory_space<hbm>>
      %dma_wait3A_672 = tpu.memref_squeeze %dma_wait3A_671 : memref<1x64x128xf32, #tpu.memory_space<hbm>> -> memref<64x128xf32, #tpu.memory_space<hbm>>
      %dma_wait3A_673 = arith.constant 0 : i32
      %dma_wait3A_674 = arith.constant 0 : i32
      %dma_wait3A_675 = tpu.memref_slice %arg6[%dma_wait3A_659, %dma_wait3A_673, %dma_wait3A_674] : memref<8x64x128xf32, #tpu.memory_space<vmem>> -> memref<1x64x128xf32, #tpu.memory_space<vmem>>
      %dma_wait3A_676 = tpu.memref_squeeze %dma_wait3A_675 : memref<1x64x128xf32, #tpu.memory_space<vmem>> -> memref<64x128xf32, #tpu.memory_space<vmem>>
      tpu.wait_dma2 semaphore(%dma_wait3A_669 : memref<!tpu.dma_semaphore, #tpu.memory_space<semaphore_mem>>) src(%dma_wait3A_676 : memref<64x128xf32, #tpu.memory_space<vmem>>) dst(%dma_wait3A_672 : memref<64x128xf32, #tpu.memory_space<hbm>>)
      %add3A_677 = arith.constant 1 : i32
      %add3A_678 = arith.addi %scan3A_173, %add3A_677 : i32
      %lt3A_679 = arith.constant 26 : i32
      %lt3A_680 = arith.cmpi slt, %add3A_678, %lt3A_679 : i32
      %convert_element_type3A_681 = arith.extui %lt3A_680 : i1 to i32
      %cond3A_682 = arith.constant 0 : i32
      %cond3A_683 = arith.cmpi ne, %convert_element_type3A_681, %cond3A_682 : i32
      scf.if %cond3A_683 {
        %add3A_874 = arith.constant 1 : i32
        %add3A_875 = arith.addi %scan3A_173, %add3A_874 : i32
        %mul3A_876 = arith.constant 8 : i32
        %mul3A_877 = arith.muli %add3A_875, %mul3A_876 : i32
        %add3A_878 = arith.constant 2 : i32
        %add3A_879 = arith.addi %mul3A_877, %add3A_878 : i32
        %shift_right_logical3A_880 = arith.constant 3 : i32
        %shift_right_logical3A_881 = arith.shrui %add3A_879, %shift_right_logical3A_880 : i32
        %and3A_882 = arith.constant 7 : i32
        %and3A_883 = arith.andi %add3A_879, %and3A_882 : i32
        %mul3A_884 = arith.constant 64 : i32
        %mul3A_885 = arith.muli %and3A_883, %mul3A_884 : i32
        %dma_start3A_886 = arith.constant 2 : i32
        %dma_start3A_887 = arith.constant 2 : i32
        %dma_start3A_888 = arith.constant 0 : i32
        %dma_start3A_889 = arith.constant 0 : i32
        %dma_start3A_890 = tpu.memref_slice %arg6[%dma_start3A_886, %dma_start3A_888, %dma_start3A_889] : memref<8x64x128xf32, #tpu.memory_space<vmem>> -> memref<1x64x128xf32, #tpu.memory_space<vmem>>
        %dma_start3A_891 = tpu.memref_squeeze %dma_start3A_890 : memref<1x64x128xf32, #tpu.memory_space<vmem>> -> memref<64x128xf32, #tpu.memory_space<vmem>>
        %dma_start3A_892 = tpu.memref_slice %arg5[%shift_right_logical3A_881, %mul3A_885] : memref<32x512xi32, #tpu.memory_space<vmem>> -> memref<1x64xi32, #tpu.memory_space<vmem>>
        %dma_start3A_893 = tpu.memref_squeeze %dma_start3A_892 : memref<1x64xi32, #tpu.memory_space<vmem>> -> memref<64xi32, #tpu.memory_space<vmem>>
        %dma_start3A_894 = arith.constant 0 : i32
        %dma_start3A_895 = arith.constant 0 : i32
        %dma_start3A_896 = tpu.memref_slice %arg3[%dma_start3A_894, %dma_start3A_895] : memref<100000x128xf32, #tpu.memory_space<hbm>> -> memref<100000x128xf32, #tpu.memory_space<hbm>>
        %dma_start3A_897 = tpu.memref_slice %arg7[%dma_start3A_887] : memref<8x!tpu.dma_semaphore, #tpu.memory_space<semaphore_mem>> -> memref<1x!tpu.dma_semaphore, #tpu.memory_space<semaphore_mem>>
        %dma_start3A_898 = tpu.memref_squeeze %dma_start3A_897 : memref<1x!tpu.dma_semaphore, #tpu.memory_space<semaphore_mem>> -> memref<!tpu.dma_semaphore, #tpu.memory_space<semaphore_mem>>
        tpu.enqueue_indirect_dma source(%dma_start3A_896 : memref<100000x128xf32, #tpu.memory_space<hbm>>) target(%dma_start3A_891 : memref<64x128xf32, #tpu.memory_space<vmem>>) offsets(%dma_start3A_893 : memref<64xi32, #tpu.memory_space<vmem>>) semaphore(%dma_start3A_898 : memref<!tpu.dma_semaphore, #tpu.memory_space<semaphore_mem>>)
      } else {
      }
      %mul3A_684 = arith.constant 8 : i32
      %mul3A_685 = arith.muli %scan3A_173, %mul3A_684 : i32
      %add3A_686 = arith.constant 3 : i32
      %add3A_687 = arith.addi %mul3A_685, %add3A_686 : i32
      %shift_right_logical3A_688 = arith.constant 3 : i32
      %shift_right_logical3A_689 = arith.shrui %add3A_687, %shift_right_logical3A_688 : i32
      %and3A_690 = arith.constant 7 : i32
      %and3A_691 = arith.andi %add3A_687, %and3A_690 : i32
      %mul3A_692 = arith.constant 512 : i32
      %mul3A_693 = arith.muli %add3A, %mul3A_692 : i32
      %mul3A_694 = arith.constant 64 : i32
      %mul3A_695 = arith.muli %and3A_691, %mul3A_694 : i32
      %add3A_696 = arith.addi %mul3A_693, %mul3A_695 : i32
      %dma_wait3A_697 = arith.constant 3 : i32
      %dma_wait3A_698 = arith.constant 3 : i32
      %dma_wait3A_699 = arith.constant 0 : i32
      %dma_wait3A_700 = arith.constant 0 : i32
      %dma_wait3A_701 = tpu.memref_slice %arg6[%dma_wait3A_697, %dma_wait3A_699, %dma_wait3A_700] : memref<8x64x128xf32, #tpu.memory_space<vmem>> -> memref<1x64x128xf32, #tpu.memory_space<vmem>>
      %dma_wait3A_702 = tpu.memref_squeeze %dma_wait3A_701 : memref<1x64x128xf32, #tpu.memory_space<vmem>> -> memref<64x128xf32, #tpu.memory_space<vmem>>
      %dma_wait3A_703 = arith.constant 0 : i32
      %dma_wait3A_704 = tpu.memref_slice %arg4[%shift_right_logical3A_689, %add3A_696, %dma_wait3A_703] : memref<26x16384x128xf32, #tpu.memory_space<hbm>> -> memref<1x64x128xf32, #tpu.memory_space<hbm>>
      %dma_wait3A_705 = tpu.memref_squeeze %dma_wait3A_704 : memref<1x64x128xf32, #tpu.memory_space<hbm>> -> memref<64x128xf32, #tpu.memory_space<hbm>>
      %dma_wait3A_706 = tpu.memref_slice %arg8[%dma_wait3A_698] : memref<8x!tpu.dma_semaphore, #tpu.memory_space<semaphore_mem>> -> memref<1x!tpu.dma_semaphore, #tpu.memory_space<semaphore_mem>>
      %dma_wait3A_707 = tpu.memref_squeeze %dma_wait3A_706 : memref<1x!tpu.dma_semaphore, #tpu.memory_space<semaphore_mem>> -> memref<!tpu.dma_semaphore, #tpu.memory_space<semaphore_mem>>
      %dma_wait3A_708 = arith.constant 0 : i32
      %dma_wait3A_709 = tpu.memref_slice %arg4[%shift_right_logical3A_689, %add3A_696, %dma_wait3A_708] : memref<26x16384x128xf32, #tpu.memory_space<hbm>> -> memref<1x64x128xf32, #tpu.memory_space<hbm>>
      %dma_wait3A_710 = tpu.memref_squeeze %dma_wait3A_709 : memref<1x64x128xf32, #tpu.memory_space<hbm>> -> memref<64x128xf32, #tpu.memory_space<hbm>>
      %dma_wait3A_711 = arith.constant 0 : i32
      %dma_wait3A_712 = arith.constant 0 : i32
      %dma_wait3A_713 = tpu.memref_slice %arg6[%dma_wait3A_697, %dma_wait3A_711, %dma_wait3A_712] : memref<8x64x128xf32, #tpu.memory_space<vmem>> -> memref<1x64x128xf32, #tpu.memory_space<vmem>>
      %dma_wait3A_714 = tpu.memref_squeeze %dma_wait3A_713 : memref<1x64x128xf32, #tpu.memory_space<vmem>> -> memref<64x128xf32, #tpu.memory_space<vmem>>
      tpu.wait_dma2 semaphore(%dma_wait3A_707 : memref<!tpu.dma_semaphore, #tpu.memory_space<semaphore_mem>>) src(%dma_wait3A_714 : memref<64x128xf32, #tpu.memory_space<vmem>>) dst(%dma_wait3A_710 : memref<64x128xf32, #tpu.memory_space<hbm>>)
      %add3A_715 = arith.constant 1 : i32
      %add3A_716 = arith.addi %scan3A_173, %add3A_715 : i32
      %lt3A_717 = arith.constant 26 : i32
      %lt3A_718 = arith.cmpi slt, %add3A_716, %lt3A_717 : i32
      %convert_element_type3A_719 = arith.extui %lt3A_718 : i1 to i32
      %cond3A_720 = arith.constant 0 : i32
      %cond3A_721 = arith.cmpi ne, %convert_element_type3A_719, %cond3A_720 : i32
      scf.if %cond3A_721 {
        %add3A_874 = arith.constant 1 : i32
        %add3A_875 = arith.addi %scan3A_173, %add3A_874 : i32
        %mul3A_876 = arith.constant 8 : i32
        %mul3A_877 = arith.muli %add3A_875, %mul3A_876 : i32
        %add3A_878 = arith.constant 3 : i32
        %add3A_879 = arith.addi %mul3A_877, %add3A_878 : i32
        %shift_right_logical3A_880 = arith.constant 3 : i32
        %shift_right_logical3A_881 = arith.shrui %add3A_879, %shift_right_logical3A_880 : i32
        %and3A_882 = arith.constant 7 : i32
        %and3A_883 = arith.andi %add3A_879, %and3A_882 : i32
        %mul3A_884 = arith.constant 64 : i32
        %mul3A_885 = arith.muli %and3A_883, %mul3A_884 : i32
        %dma_start3A_886 = arith.constant 3 : i32
        %dma_start3A_887 = arith.constant 3 : i32
        %dma_start3A_888 = arith.constant 0 : i32
        %dma_start3A_889 = arith.constant 0 : i32
        %dma_start3A_890 = tpu.memref_slice %arg6[%dma_start3A_886, %dma_start3A_888, %dma_start3A_889] : memref<8x64x128xf32, #tpu.memory_space<vmem>> -> memref<1x64x128xf32, #tpu.memory_space<vmem>>
        %dma_start3A_891 = tpu.memref_squeeze %dma_start3A_890 : memref<1x64x128xf32, #tpu.memory_space<vmem>> -> memref<64x128xf32, #tpu.memory_space<vmem>>
        %dma_start3A_892 = tpu.memref_slice %arg5[%shift_right_logical3A_881, %mul3A_885] : memref<32x512xi32, #tpu.memory_space<vmem>> -> memref<1x64xi32, #tpu.memory_space<vmem>>
        %dma_start3A_893 = tpu.memref_squeeze %dma_start3A_892 : memref<1x64xi32, #tpu.memory_space<vmem>> -> memref<64xi32, #tpu.memory_space<vmem>>
        %dma_start3A_894 = arith.constant 0 : i32
        %dma_start3A_895 = arith.constant 0 : i32
        %dma_start3A_896 = tpu.memref_slice %arg3[%dma_start3A_894, %dma_start3A_895] : memref<100000x128xf32, #tpu.memory_space<hbm>> -> memref<100000x128xf32, #tpu.memory_space<hbm>>
        %dma_start3A_897 = tpu.memref_slice %arg7[%dma_start3A_887] : memref<8x!tpu.dma_semaphore, #tpu.memory_space<semaphore_mem>> -> memref<1x!tpu.dma_semaphore, #tpu.memory_space<semaphore_mem>>
        %dma_start3A_898 = tpu.memref_squeeze %dma_start3A_897 : memref<1x!tpu.dma_semaphore, #tpu.memory_space<semaphore_mem>> -> memref<!tpu.dma_semaphore, #tpu.memory_space<semaphore_mem>>
        tpu.enqueue_indirect_dma source(%dma_start3A_896 : memref<100000x128xf32, #tpu.memory_space<hbm>>) target(%dma_start3A_891 : memref<64x128xf32, #tpu.memory_space<vmem>>) offsets(%dma_start3A_893 : memref<64xi32, #tpu.memory_space<vmem>>) semaphore(%dma_start3A_898 : memref<!tpu.dma_semaphore, #tpu.memory_space<semaphore_mem>>)
      } else {
      }
      %mul3A_722 = arith.constant 8 : i32
      %mul3A_723 = arith.muli %scan3A_173, %mul3A_722 : i32
      %add3A_724 = arith.constant 4 : i32
      %add3A_725 = arith.addi %mul3A_723, %add3A_724 : i32
      %shift_right_logical3A_726 = arith.constant 3 : i32
      %shift_right_logical3A_727 = arith.shrui %add3A_725, %shift_right_logical3A_726 : i32
      %and3A_728 = arith.constant 7 : i32
      %and3A_729 = arith.andi %add3A_725, %and3A_728 : i32
      %mul3A_730 = arith.constant 512 : i32
      %mul3A_731 = arith.muli %add3A, %mul3A_730 : i32
      %mul3A_732 = arith.constant 64 : i32
      %mul3A_733 = arith.muli %and3A_729, %mul3A_732 : i32
      %add3A_734 = arith.addi %mul3A_731, %mul3A_733 : i32
      %dma_wait3A_735 = arith.constant 4 : i32
      %dma_wait3A_736 = arith.constant 4 : i32
      %dma_wait3A_737 = arith.constant 0 : i32
      %dma_wait3A_738 = arith.constant 0 : i32
      %dma_wait3A_739 = tpu.memref_slice %arg6[%dma_wait3A_735, %dma_wait3A_737, %dma_wait3A_738] : memref<8x64x128xf32, #tpu.memory_space<vmem>> -> memref<1x64x128xf32, #tpu.memory_space<vmem>>
      %dma_wait3A_740 = tpu.memref_squeeze %dma_wait3A_739 : memref<1x64x128xf32, #tpu.memory_space<vmem>> -> memref<64x128xf32, #tpu.memory_space<vmem>>
      %dma_wait3A_741 = arith.constant 0 : i32
      %dma_wait3A_742 = tpu.memref_slice %arg4[%shift_right_logical3A_727, %add3A_734, %dma_wait3A_741] : memref<26x16384x128xf32, #tpu.memory_space<hbm>> -> memref<1x64x128xf32, #tpu.memory_space<hbm>>
      %dma_wait3A_743 = tpu.memref_squeeze %dma_wait3A_742 : memref<1x64x128xf32, #tpu.memory_space<hbm>> -> memref<64x128xf32, #tpu.memory_space<hbm>>
      %dma_wait3A_744 = tpu.memref_slice %arg8[%dma_wait3A_736] : memref<8x!tpu.dma_semaphore, #tpu.memory_space<semaphore_mem>> -> memref<1x!tpu.dma_semaphore, #tpu.memory_space<semaphore_mem>>
      %dma_wait3A_745 = tpu.memref_squeeze %dma_wait3A_744 : memref<1x!tpu.dma_semaphore, #tpu.memory_space<semaphore_mem>> -> memref<!tpu.dma_semaphore, #tpu.memory_space<semaphore_mem>>
      %dma_wait3A_746 = arith.constant 0 : i32
      %dma_wait3A_747 = tpu.memref_slice %arg4[%shift_right_logical3A_727, %add3A_734, %dma_wait3A_746] : memref<26x16384x128xf32, #tpu.memory_space<hbm>> -> memref<1x64x128xf32, #tpu.memory_space<hbm>>
      %dma_wait3A_748 = tpu.memref_squeeze %dma_wait3A_747 : memref<1x64x128xf32, #tpu.memory_space<hbm>> -> memref<64x128xf32, #tpu.memory_space<hbm>>
      %dma_wait3A_749 = arith.constant 0 : i32
      %dma_wait3A_750 = arith.constant 0 : i32
      %dma_wait3A_751 = tpu.memref_slice %arg6[%dma_wait3A_735, %dma_wait3A_749, %dma_wait3A_750] : memref<8x64x128xf32, #tpu.memory_space<vmem>> -> memref<1x64x128xf32, #tpu.memory_space<vmem>>
      %dma_wait3A_752 = tpu.memref_squeeze %dma_wait3A_751 : memref<1x64x128xf32, #tpu.memory_space<vmem>> -> memref<64x128xf32, #tpu.memory_space<vmem>>
      tpu.wait_dma2 semaphore(%dma_wait3A_745 : memref<!tpu.dma_semaphore, #tpu.memory_space<semaphore_mem>>) src(%dma_wait3A_752 : memref<64x128xf32, #tpu.memory_space<vmem>>) dst(%dma_wait3A_748 : memref<64x128xf32, #tpu.memory_space<hbm>>)
      %add3A_753 = arith.constant 1 : i32
      %add3A_754 = arith.addi %scan3A_173, %add3A_753 : i32
      %lt3A_755 = arith.constant 26 : i32
      %lt3A_756 = arith.cmpi slt, %add3A_754, %lt3A_755 : i32
      %convert_element_type3A_757 = arith.extui %lt3A_756 : i1 to i32
      %cond3A_758 = arith.constant 0 : i32
      %cond3A_759 = arith.cmpi ne, %convert_element_type3A_757, %cond3A_758 : i32
      scf.if %cond3A_759 {
        %add3A_874 = arith.constant 1 : i32
        %add3A_875 = arith.addi %scan3A_173, %add3A_874 : i32
        %mul3A_876 = arith.constant 8 : i32
        %mul3A_877 = arith.muli %add3A_875, %mul3A_876 : i32
        %add3A_878 = arith.constant 4 : i32
        %add3A_879 = arith.addi %mul3A_877, %add3A_878 : i32
        %shift_right_logical3A_880 = arith.constant 3 : i32
        %shift_right_logical3A_881 = arith.shrui %add3A_879, %shift_right_logical3A_880 : i32
        %and3A_882 = arith.constant 7 : i32
        %and3A_883 = arith.andi %add3A_879, %and3A_882 : i32
        %mul3A_884 = arith.constant 64 : i32
        %mul3A_885 = arith.muli %and3A_883, %mul3A_884 : i32
        %dma_start3A_886 = arith.constant 4 : i32
        %dma_start3A_887 = arith.constant 4 : i32
        %dma_start3A_888 = arith.constant 0 : i32
        %dma_start3A_889 = arith.constant 0 : i32
        %dma_start3A_890 = tpu.memref_slice %arg6[%dma_start3A_886, %dma_start3A_888, %dma_start3A_889] : memref<8x64x128xf32, #tpu.memory_space<vmem>> -> memref<1x64x128xf32, #tpu.memory_space<vmem>>
        %dma_start3A_891 = tpu.memref_squeeze %dma_start3A_890 : memref<1x64x128xf32, #tpu.memory_space<vmem>> -> memref<64x128xf32, #tpu.memory_space<vmem>>
        %dma_start3A_892 = tpu.memref_slice %arg5[%shift_right_logical3A_881, %mul3A_885] : memref<32x512xi32, #tpu.memory_space<vmem>> -> memref<1x64xi32, #tpu.memory_space<vmem>>
        %dma_start3A_893 = tpu.memref_squeeze %dma_start3A_892 : memref<1x64xi32, #tpu.memory_space<vmem>> -> memref<64xi32, #tpu.memory_space<vmem>>
        %dma_start3A_894 = arith.constant 0 : i32
        %dma_start3A_895 = arith.constant 0 : i32
        %dma_start3A_896 = tpu.memref_slice %arg3[%dma_start3A_894, %dma_start3A_895] : memref<100000x128xf32, #tpu.memory_space<hbm>> -> memref<100000x128xf32, #tpu.memory_space<hbm>>
        %dma_start3A_897 = tpu.memref_slice %arg7[%dma_start3A_887] : memref<8x!tpu.dma_semaphore, #tpu.memory_space<semaphore_mem>> -> memref<1x!tpu.dma_semaphore, #tpu.memory_space<semaphore_mem>>
        %dma_start3A_898 = tpu.memref_squeeze %dma_start3A_897 : memref<1x!tpu.dma_semaphore, #tpu.memory_space<semaphore_mem>> -> memref<!tpu.dma_semaphore, #tpu.memory_space<semaphore_mem>>
        tpu.enqueue_indirect_dma source(%dma_start3A_896 : memref<100000x128xf32, #tpu.memory_space<hbm>>) target(%dma_start3A_891 : memref<64x128xf32, #tpu.memory_space<vmem>>) offsets(%dma_start3A_893 : memref<64xi32, #tpu.memory_space<vmem>>) semaphore(%dma_start3A_898 : memref<!tpu.dma_semaphore, #tpu.memory_space<semaphore_mem>>)
      } else {
      }
      %mul3A_760 = arith.constant 8 : i32
      %mul3A_761 = arith.muli %scan3A_173, %mul3A_760 : i32
      %add3A_762 = arith.constant 5 : i32
      %add3A_763 = arith.addi %mul3A_761, %add3A_762 : i32
      %shift_right_logical3A_764 = arith.constant 3 : i32
      %shift_right_logical3A_765 = arith.shrui %add3A_763, %shift_right_logical3A_764 : i32
      %and3A_766 = arith.constant 7 : i32
      %and3A_767 = arith.andi %add3A_763, %and3A_766 : i32
      %mul3A_768 = arith.constant 512 : i32
      %mul3A_769 = arith.muli %add3A, %mul3A_768 : i32
      %mul3A_770 = arith.constant 64 : i32
      %mul3A_771 = arith.muli %and3A_767, %mul3A_770 : i32
      %add3A_772 = arith.addi %mul3A_769, %mul3A_771 : i32
      %dma_wait3A_773 = arith.constant 5 : i32
      %dma_wait3A_774 = arith.constant 5 : i32
      %dma_wait3A_775 = arith.constant 0 : i32
      %dma_wait3A_776 = arith.constant 0 : i32
      %dma_wait3A_777 = tpu.memref_slice %arg6[%dma_wait3A_773, %dma_wait3A_775, %dma_wait3A_776] : memref<8x64x128xf32, #tpu.memory_space<vmem>> -> memref<1x64x128xf32, #tpu.memory_space<vmem>>
      %dma_wait3A_778 = tpu.memref_squeeze %dma_wait3A_777 : memref<1x64x128xf32, #tpu.memory_space<vmem>> -> memref<64x128xf32, #tpu.memory_space<vmem>>
      %dma_wait3A_779 = arith.constant 0 : i32
      %dma_wait3A_780 = tpu.memref_slice %arg4[%shift_right_logical3A_765, %add3A_772, %dma_wait3A_779] : memref<26x16384x128xf32, #tpu.memory_space<hbm>> -> memref<1x64x128xf32, #tpu.memory_space<hbm>>
      %dma_wait3A_781 = tpu.memref_squeeze %dma_wait3A_780 : memref<1x64x128xf32, #tpu.memory_space<hbm>> -> memref<64x128xf32, #tpu.memory_space<hbm>>
      %dma_wait3A_782 = tpu.memref_slice %arg8[%dma_wait3A_774] : memref<8x!tpu.dma_semaphore, #tpu.memory_space<semaphore_mem>> -> memref<1x!tpu.dma_semaphore, #tpu.memory_space<semaphore_mem>>
      %dma_wait3A_783 = tpu.memref_squeeze %dma_wait3A_782 : memref<1x!tpu.dma_semaphore, #tpu.memory_space<semaphore_mem>> -> memref<!tpu.dma_semaphore, #tpu.memory_space<semaphore_mem>>
      %dma_wait3A_784 = arith.constant 0 : i32
      %dma_wait3A_785 = tpu.memref_slice %arg4[%shift_right_logical3A_765, %add3A_772, %dma_wait3A_784] : memref<26x16384x128xf32, #tpu.memory_space<hbm>> -> memref<1x64x128xf32, #tpu.memory_space<hbm>>
      %dma_wait3A_786 = tpu.memref_squeeze %dma_wait3A_785 : memref<1x64x128xf32, #tpu.memory_space<hbm>> -> memref<64x128xf32, #tpu.memory_space<hbm>>
      %dma_wait3A_787 = arith.constant 0 : i32
      %dma_wait3A_788 = arith.constant 0 : i32
      %dma_wait3A_789 = tpu.memref_slice %arg6[%dma_wait3A_773, %dma_wait3A_787, %dma_wait3A_788] : memref<8x64x128xf32, #tpu.memory_space<vmem>> -> memref<1x64x128xf32, #tpu.memory_space<vmem>>
      %dma_wait3A_790 = tpu.memref_squeeze %dma_wait3A_789 : memref<1x64x128xf32, #tpu.memory_space<vmem>> -> memref<64x128xf32, #tpu.memory_space<vmem>>
      tpu.wait_dma2 semaphore(%dma_wait3A_783 : memref<!tpu.dma_semaphore, #tpu.memory_space<semaphore_mem>>) src(%dma_wait3A_790 : memref<64x128xf32, #tpu.memory_space<vmem>>) dst(%dma_wait3A_786 : memref<64x128xf32, #tpu.memory_space<hbm>>)
      %add3A_791 = arith.constant 1 : i32
      %add3A_792 = arith.addi %scan3A_173, %add3A_791 : i32
      %lt3A_793 = arith.constant 26 : i32
      %lt3A_794 = arith.cmpi slt, %add3A_792, %lt3A_793 : i32
      %convert_element_type3A_795 = arith.extui %lt3A_794 : i1 to i32
      %cond3A_796 = arith.constant 0 : i32
      %cond3A_797 = arith.cmpi ne, %convert_element_type3A_795, %cond3A_796 : i32
      scf.if %cond3A_797 {
        %add3A_874 = arith.constant 1 : i32
        %add3A_875 = arith.addi %scan3A_173, %add3A_874 : i32
        %mul3A_876 = arith.constant 8 : i32
        %mul3A_877 = arith.muli %add3A_875, %mul3A_876 : i32
        %add3A_878 = arith.constant 5 : i32
        %add3A_879 = arith.addi %mul3A_877, %add3A_878 : i32
        %shift_right_logical3A_880 = arith.constant 3 : i32
        %shift_right_logical3A_881 = arith.shrui %add3A_879, %shift_right_logical3A_880 : i32
        %and3A_882 = arith.constant 7 : i32
        %and3A_883 = arith.andi %add3A_879, %and3A_882 : i32
        %mul3A_884 = arith.constant 64 : i32
        %mul3A_885 = arith.muli %and3A_883, %mul3A_884 : i32
        %dma_start3A_886 = arith.constant 5 : i32
        %dma_start3A_887 = arith.constant 5 : i32
        %dma_start3A_888 = arith.constant 0 : i32
        %dma_start3A_889 = arith.constant 0 : i32
        %dma_start3A_890 = tpu.memref_slice %arg6[%dma_start3A_886, %dma_start3A_888, %dma_start3A_889] : memref<8x64x128xf32, #tpu.memory_space<vmem>> -> memref<1x64x128xf32, #tpu.memory_space<vmem>>
        %dma_start3A_891 = tpu.memref_squeeze %dma_start3A_890 : memref<1x64x128xf32, #tpu.memory_space<vmem>> -> memref<64x128xf32, #tpu.memory_space<vmem>>
        %dma_start3A_892 = tpu.memref_slice %arg5[%shift_right_logical3A_881, %mul3A_885] : memref<32x512xi32, #tpu.memory_space<vmem>> -> memref<1x64xi32, #tpu.memory_space<vmem>>
        %dma_start3A_893 = tpu.memref_squeeze %dma_start3A_892 : memref<1x64xi32, #tpu.memory_space<vmem>> -> memref<64xi32, #tpu.memory_space<vmem>>
        %dma_start3A_894 = arith.constant 0 : i32
        %dma_start3A_895 = arith.constant 0 : i32
        %dma_start3A_896 = tpu.memref_slice %arg3[%dma_start3A_894, %dma_start3A_895] : memref<100000x128xf32, #tpu.memory_space<hbm>> -> memref<100000x128xf32, #tpu.memory_space<hbm>>
        %dma_start3A_897 = tpu.memref_slice %arg7[%dma_start3A_887] : memref<8x!tpu.dma_semaphore, #tpu.memory_space<semaphore_mem>> -> memref<1x!tpu.dma_semaphore, #tpu.memory_space<semaphore_mem>>
        %dma_start3A_898 = tpu.memref_squeeze %dma_start3A_897 : memref<1x!tpu.dma_semaphore, #tpu.memory_space<semaphore_mem>> -> memref<!tpu.dma_semaphore, #tpu.memory_space<semaphore_mem>>
        tpu.enqueue_indirect_dma source(%dma_start3A_896 : memref<100000x128xf32, #tpu.memory_space<hbm>>) target(%dma_start3A_891 : memref<64x128xf32, #tpu.memory_space<vmem>>) offsets(%dma_start3A_893 : memref<64xi32, #tpu.memory_space<vmem>>) semaphore(%dma_start3A_898 : memref<!tpu.dma_semaphore, #tpu.memory_space<semaphore_mem>>)
      } else {
      }
      %mul3A_798 = arith.constant 8 : i32
      %mul3A_799 = arith.muli %scan3A_173, %mul3A_798 : i32
      %add3A_800 = arith.constant 6 : i32
      %add3A_801 = arith.addi %mul3A_799, %add3A_800 : i32
      %shift_right_logical3A_802 = arith.constant 3 : i32
      %shift_right_logical3A_803 = arith.shrui %add3A_801, %shift_right_logical3A_802 : i32
      %and3A_804 = arith.constant 7 : i32
      %and3A_805 = arith.andi %add3A_801, %and3A_804 : i32
      %mul3A_806 = arith.constant 512 : i32
      %mul3A_807 = arith.muli %add3A, %mul3A_806 : i32
      %mul3A_808 = arith.constant 64 : i32
      %mul3A_809 = arith.muli %and3A_805, %mul3A_808 : i32
      %add3A_810 = arith.addi %mul3A_807, %mul3A_809 : i32
      %dma_wait3A_811 = arith.constant 6 : i32
      %dma_wait3A_812 = arith.constant 6 : i32
      %dma_wait3A_813 = arith.constant 0 : i32
      %dma_wait3A_814 = arith.constant 0 : i32
      %dma_wait3A_815 = tpu.memref_slice %arg6[%dma_wait3A_811, %dma_wait3A_813, %dma_wait3A_814] : memref<8x64x128xf32, #tpu.memory_space<vmem>> -> memref<1x64x128xf32, #tpu.memory_space<vmem>>
      %dma_wait3A_816 = tpu.memref_squeeze %dma_wait3A_815 : memref<1x64x128xf32, #tpu.memory_space<vmem>> -> memref<64x128xf32, #tpu.memory_space<vmem>>
      %dma_wait3A_817 = arith.constant 0 : i32
      %dma_wait3A_818 = tpu.memref_slice %arg4[%shift_right_logical3A_803, %add3A_810, %dma_wait3A_817] : memref<26x16384x128xf32, #tpu.memory_space<hbm>> -> memref<1x64x128xf32, #tpu.memory_space<hbm>>
      %dma_wait3A_819 = tpu.memref_squeeze %dma_wait3A_818 : memref<1x64x128xf32, #tpu.memory_space<hbm>> -> memref<64x128xf32, #tpu.memory_space<hbm>>
      %dma_wait3A_820 = tpu.memref_slice %arg8[%dma_wait3A_812] : memref<8x!tpu.dma_semaphore, #tpu.memory_space<semaphore_mem>> -> memref<1x!tpu.dma_semaphore, #tpu.memory_space<semaphore_mem>>
      %dma_wait3A_821 = tpu.memref_squeeze %dma_wait3A_820 : memref<1x!tpu.dma_semaphore, #tpu.memory_space<semaphore_mem>> -> memref<!tpu.dma_semaphore, #tpu.memory_space<semaphore_mem>>
      %dma_wait3A_822 = arith.constant 0 : i32
      %dma_wait3A_823 = tpu.memref_slice %arg4[%shift_right_logical3A_803, %add3A_810, %dma_wait3A_822] : memref<26x16384x128xf32, #tpu.memory_space<hbm>> -> memref<1x64x128xf32, #tpu.memory_space<hbm>>
      %dma_wait3A_824 = tpu.memref_squeeze %dma_wait3A_823 : memref<1x64x128xf32, #tpu.memory_space<hbm>> -> memref<64x128xf32, #tpu.memory_space<hbm>>
      %dma_wait3A_825 = arith.constant 0 : i32
      %dma_wait3A_826 = arith.constant 0 : i32
      %dma_wait3A_827 = tpu.memref_slice %arg6[%dma_wait3A_811, %dma_wait3A_825, %dma_wait3A_826] : memref<8x64x128xf32, #tpu.memory_space<vmem>> -> memref<1x64x128xf32, #tpu.memory_space<vmem>>
      %dma_wait3A_828 = tpu.memref_squeeze %dma_wait3A_827 : memref<1x64x128xf32, #tpu.memory_space<vmem>> -> memref<64x128xf32, #tpu.memory_space<vmem>>
      tpu.wait_dma2 semaphore(%dma_wait3A_821 : memref<!tpu.dma_semaphore, #tpu.memory_space<semaphore_mem>>) src(%dma_wait3A_828 : memref<64x128xf32, #tpu.memory_space<vmem>>) dst(%dma_wait3A_824 : memref<64x128xf32, #tpu.memory_space<hbm>>)
      %add3A_829 = arith.constant 1 : i32
      %add3A_830 = arith.addi %scan3A_173, %add3A_829 : i32
      %lt3A_831 = arith.constant 26 : i32
      %lt3A_832 = arith.cmpi slt, %add3A_830, %lt3A_831 : i32
      %convert_element_type3A_833 = arith.extui %lt3A_832 : i1 to i32
      %cond3A_834 = arith.constant 0 : i32
      %cond3A_835 = arith.cmpi ne, %convert_element_type3A_833, %cond3A_834 : i32
      scf.if %cond3A_835 {
        %add3A_874 = arith.constant 1 : i32
        %add3A_875 = arith.addi %scan3A_173, %add3A_874 : i32
        %mul3A_876 = arith.constant 8 : i32
        %mul3A_877 = arith.muli %add3A_875, %mul3A_876 : i32
        %add3A_878 = arith.constant 6 : i32
        %add3A_879 = arith.addi %mul3A_877, %add3A_878 : i32
        %shift_right_logical3A_880 = arith.constant 3 : i32
        %shift_right_logical3A_881 = arith.shrui %add3A_879, %shift_right_logical3A_880 : i32
        %and3A_882 = arith.constant 7 : i32
        %and3A_883 = arith.andi %add3A_879, %and3A_882 : i32
        %mul3A_884 = arith.constant 64 : i32
        %mul3A_885 = arith.muli %and3A_883, %mul3A_884 : i32
        %dma_start3A_886 = arith.constant 6 : i32
        %dma_start3A_887 = arith.constant 6 : i32
        %dma_start3A_888 = arith.constant 0 : i32
        %dma_start3A_889 = arith.constant 0 : i32
        %dma_start3A_890 = tpu.memref_slice %arg6[%dma_start3A_886, %dma_start3A_888, %dma_start3A_889] : memref<8x64x128xf32, #tpu.memory_space<vmem>> -> memref<1x64x128xf32, #tpu.memory_space<vmem>>
        %dma_start3A_891 = tpu.memref_squeeze %dma_start3A_890 : memref<1x64x128xf32, #tpu.memory_space<vmem>> -> memref<64x128xf32, #tpu.memory_space<vmem>>
        %dma_start3A_892 = tpu.memref_slice %arg5[%shift_right_logical3A_881, %mul3A_885] : memref<32x512xi32, #tpu.memory_space<vmem>> -> memref<1x64xi32, #tpu.memory_space<vmem>>
        %dma_start3A_893 = tpu.memref_squeeze %dma_start3A_892 : memref<1x64xi32, #tpu.memory_space<vmem>> -> memref<64xi32, #tpu.memory_space<vmem>>
        %dma_start3A_894 = arith.constant 0 : i32
        %dma_start3A_895 = arith.constant 0 : i32
        %dma_start3A_896 = tpu.memref_slice %arg3[%dma_start3A_894, %dma_start3A_895] : memref<100000x128xf32, #tpu.memory_space<hbm>> -> memref<100000x128xf32, #tpu.memory_space<hbm>>
        %dma_start3A_897 = tpu.memref_slice %arg7[%dma_start3A_887] : memref<8x!tpu.dma_semaphore, #tpu.memory_space<semaphore_mem>> -> memref<1x!tpu.dma_semaphore, #tpu.memory_space<semaphore_mem>>
        %dma_start3A_898 = tpu.memref_squeeze %dma_start3A_897 : memref<1x!tpu.dma_semaphore, #tpu.memory_space<semaphore_mem>> -> memref<!tpu.dma_semaphore, #tpu.memory_space<semaphore_mem>>
        tpu.enqueue_indirect_dma source(%dma_start3A_896 : memref<100000x128xf32, #tpu.memory_space<hbm>>) target(%dma_start3A_891 : memref<64x128xf32, #tpu.memory_space<vmem>>) offsets(%dma_start3A_893 : memref<64xi32, #tpu.memory_space<vmem>>) semaphore(%dma_start3A_898 : memref<!tpu.dma_semaphore, #tpu.memory_space<semaphore_mem>>)
      } else {
      }
      %mul3A_836 = arith.constant 8 : i32
      %mul3A_837 = arith.muli %scan3A_173, %mul3A_836 : i32
      %add3A_838 = arith.constant 7 : i32
      %add3A_839 = arith.addi %mul3A_837, %add3A_838 : i32
      %shift_right_logical3A_840 = arith.constant 3 : i32
      %shift_right_logical3A_841 = arith.shrui %add3A_839, %shift_right_logical3A_840 : i32
      %and3A_842 = arith.constant 7 : i32
      %and3A_843 = arith.andi %add3A_839, %and3A_842 : i32
      %mul3A_844 = arith.constant 512 : i32
      %mul3A_845 = arith.muli %add3A, %mul3A_844 : i32
      %mul3A_846 = arith.constant 64 : i32
      %mul3A_847 = arith.muli %and3A_843, %mul3A_846 : i32
      %add3A_848 = arith.addi %mul3A_845, %mul3A_847 : i32
      %dma_wait3A_849 = arith.constant 7 : i32
      %dma_wait3A_850 = arith.constant 7 : i32
      %dma_wait3A_851 = arith.constant 0 : i32
      %dma_wait3A_852 = arith.constant 0 : i32
      %dma_wait3A_853 = tpu.memref_slice %arg6[%dma_wait3A_849, %dma_wait3A_851, %dma_wait3A_852] : memref<8x64x128xf32, #tpu.memory_space<vmem>> -> memref<1x64x128xf32, #tpu.memory_space<vmem>>
      %dma_wait3A_854 = tpu.memref_squeeze %dma_wait3A_853 : memref<1x64x128xf32, #tpu.memory_space<vmem>> -> memref<64x128xf32, #tpu.memory_space<vmem>>
      %dma_wait3A_855 = arith.constant 0 : i32
      %dma_wait3A_856 = tpu.memref_slice %arg4[%shift_right_logical3A_841, %add3A_848, %dma_wait3A_855] : memref<26x16384x128xf32, #tpu.memory_space<hbm>> -> memref<1x64x128xf32, #tpu.memory_space<hbm>>
      %dma_wait3A_857 = tpu.memref_squeeze %dma_wait3A_856 : memref<1x64x128xf32, #tpu.memory_space<hbm>> -> memref<64x128xf32, #tpu.memory_space<hbm>>
      %dma_wait3A_858 = tpu.memref_slice %arg8[%dma_wait3A_850] : memref<8x!tpu.dma_semaphore, #tpu.memory_space<semaphore_mem>> -> memref<1x!tpu.dma_semaphore, #tpu.memory_space<semaphore_mem>>
      %dma_wait3A_859 = tpu.memref_squeeze %dma_wait3A_858 : memref<1x!tpu.dma_semaphore, #tpu.memory_space<semaphore_mem>> -> memref<!tpu.dma_semaphore, #tpu.memory_space<semaphore_mem>>
      %dma_wait3A_860 = arith.constant 0 : i32
      %dma_wait3A_861 = tpu.memref_slice %arg4[%shift_right_logical3A_841, %add3A_848, %dma_wait3A_860] : memref<26x16384x128xf32, #tpu.memory_space<hbm>> -> memref<1x64x128xf32, #tpu.memory_space<hbm>>
      %dma_wait3A_862 = tpu.memref_squeeze %dma_wait3A_861 : memref<1x64x128xf32, #tpu.memory_space<hbm>> -> memref<64x128xf32, #tpu.memory_space<hbm>>
      %dma_wait3A_863 = arith.constant 0 : i32
      %dma_wait3A_864 = arith.constant 0 : i32
      %dma_wait3A_865 = tpu.memref_slice %arg6[%dma_wait3A_849, %dma_wait3A_863, %dma_wait3A_864] : memref<8x64x128xf32, #tpu.memory_space<vmem>> -> memref<1x64x128xf32, #tpu.memory_space<vmem>>
      %dma_wait3A_866 = tpu.memref_squeeze %dma_wait3A_865 : memref<1x64x128xf32, #tpu.memory_space<vmem>> -> memref<64x128xf32, #tpu.memory_space<vmem>>
      tpu.wait_dma2 semaphore(%dma_wait3A_859 : memref<!tpu.dma_semaphore, #tpu.memory_space<semaphore_mem>>) src(%dma_wait3A_866 : memref<64x128xf32, #tpu.memory_space<vmem>>) dst(%dma_wait3A_862 : memref<64x128xf32, #tpu.memory_space<hbm>>)
      %add3A_867 = arith.constant 1 : i32
      %add3A_868 = arith.addi %scan3A_173, %add3A_867 : i32
      %lt3A_869 = arith.constant 26 : i32
      %lt3A_870 = arith.cmpi slt, %add3A_868, %lt3A_869 : i32
      %convert_element_type3A_871 = arith.extui %lt3A_870 : i1 to i32
      %cond3A_872 = arith.constant 0 : i32
      %cond3A_873 = arith.cmpi ne, %convert_element_type3A_871, %cond3A_872 : i32
      scf.if %cond3A_873 {
        %add3A_874 = arith.constant 1 : i32
        %add3A_875 = arith.addi %scan3A_173, %add3A_874 : i32
        %mul3A_876 = arith.constant 8 : i32
        %mul3A_877 = arith.muli %add3A_875, %mul3A_876 : i32
        %add3A_878 = arith.constant 7 : i32
        %add3A_879 = arith.addi %mul3A_877, %add3A_878 : i32
        %shift_right_logical3A_880 = arith.constant 3 : i32
        %shift_right_logical3A_881 = arith.shrui %add3A_879, %shift_right_logical3A_880 : i32
        %and3A_882 = arith.constant 7 : i32
        %and3A_883 = arith.andi %add3A_879, %and3A_882 : i32
        %mul3A_884 = arith.constant 64 : i32
        %mul3A_885 = arith.muli %and3A_883, %mul3A_884 : i32
        %dma_start3A_886 = arith.constant 7 : i32
        %dma_start3A_887 = arith.constant 7 : i32
        %dma_start3A_888 = arith.constant 0 : i32
        %dma_start3A_889 = arith.constant 0 : i32
        %dma_start3A_890 = tpu.memref_slice %arg6[%dma_start3A_886, %dma_start3A_888, %dma_start3A_889] : memref<8x64x128xf32, #tpu.memory_space<vmem>> -> memref<1x64x128xf32, #tpu.memory_space<vmem>>
        %dma_start3A_891 = tpu.memref_squeeze %dma_start3A_890 : memref<1x64x128xf32, #tpu.memory_space<vmem>> -> memref<64x128xf32, #tpu.memory_space<vmem>>
        %dma_start3A_892 = tpu.memref_slice %arg5[%shift_right_logical3A_881, %mul3A_885] : memref<32x512xi32, #tpu.memory_space<vmem>> -> memref<1x64xi32, #tpu.memory_space<vmem>>
        %dma_start3A_893 = tpu.memref_squeeze %dma_start3A_892 : memref<1x64xi32, #tpu.memory_space<vmem>> -> memref<64xi32, #tpu.memory_space<vmem>>
        %dma_start3A_894 = arith.constant 0 : i32
        %dma_start3A_895 = arith.constant 0 : i32
        %dma_start3A_896 = tpu.memref_slice %arg3[%dma_start3A_894, %dma_start3A_895] : memref<100000x128xf32, #tpu.memory_space<hbm>> -> memref<100000x128xf32, #tpu.memory_space<hbm>>
        %dma_start3A_897 = tpu.memref_slice %arg7[%dma_start3A_887] : memref<8x!tpu.dma_semaphore, #tpu.memory_space<semaphore_mem>> -> memref<1x!tpu.dma_semaphore, #tpu.memory_space<semaphore_mem>>
        %dma_start3A_898 = tpu.memref_squeeze %dma_start3A_897 : memref<1x!tpu.dma_semaphore, #tpu.memory_space<semaphore_mem>> -> memref<!tpu.dma_semaphore, #tpu.memory_space<semaphore_mem>>
        tpu.enqueue_indirect_dma source(%dma_start3A_896 : memref<100000x128xf32, #tpu.memory_space<hbm>>) target(%dma_start3A_891 : memref<64x128xf32, #tpu.memory_space<vmem>>) offsets(%dma_start3A_893 : memref<64xi32, #tpu.memory_space<vmem>>) semaphore(%dma_start3A_898 : memref<!tpu.dma_semaphore, #tpu.memory_space<semaphore_mem>>)
      } else {
      }
    }
    %scan3A_172 = arith.constant 26 : i32
    return
  }
}

</mosaic_0001>

<sc_bundles>
// kernel: kernel.3.cloned.1.call-start
scs
__scs_entry_jumppad:
0x0: {  	(pc) =	sbr.rel $0x88, $3  }
0x1: {  	(tag) =	ssettag $0x0;
	lr =	simm.s32 $0x1  }
0x2: {  	[smem:$0x3F9F] =	sst lr;
	_ =	strace $0xD0000000  }
0x3: {  	_ = 	snop  }
0x4: {  	_ = 	snop  }
0x5: {  	_ = 	snop  }
0x6: {  	_ = 	snop  }
0x7: {  	_ = 	snop  }
__scs_overlays_trampoline_lowered:
0x8: {  	[smem:$0x3FAE] =	sst s0  }
0x9: {  	[smem:$0x3FAF] =	sst s1  }
0xa: {  	[smem:$0x3FB0] =	sst s2  }
0xb: {  	[smem:$0x3FB1] =	sst s3  }
0xc: {  	[smem:$0x3FB2] =	sst s4  }
0xd: {  	[smem:$0x3FB3] =	sst s5  }
0xe: {  	[smem:$0x3FB4] =	sst s6  }
0xf: {  	[smem:$0x3FB5] =	sst s7  }
0x10: {  	[smem:$0x3FB6] =	sst s8  }
0x11: {  	[smem:$0x3FB7] =	sst s9;
	s0 =	simm.s32 @!p0 $0x0  }
0x12: {  	s1 =	sld [smem:$0x3F9D];
	s0 =	simm.s32 @p0 $0x1  }
0x13: {  	[smem:$0x3FB8] =	sst s0;
	s0 =	simm.s32 @!p1 $0x0  }
0x14: {  	s2 =	sld [smem:$0x3F9C];
	s0 =	simm.s32 @p1 $0x1  }
0x15: {  	[smem:$0x3FB9] =	sst s0;
	s0 =	simm.s32 @!p2 $0x0  }
0x16: {  	s3 =	sld [smem:$0x3FDB];
	s0 =	simm.s32 @p2 $0x1  }
0x17: {  	s4 =	simm.s32 $0x1BF5;
	[smem:$0x3FBB] =	sst s0  }
0x18: {  	s0 =	sld [smem:$0x3F9E];
	_ =	swait.ge [sflag:s4], $0x0  }
0x19: {  	s7 =	sld [smem:$0x3F9F]  }
0x1a: {  	s8 =	sadd.s32 $0xFFFFE003, lr  }
0x1b: {  	s9 =	sadd.s32 $0xFFFFFEF7, lr;
	s5 =	simm.s32 $0xFFFFFFFF;
	p2 =	slt.u32 s8, $0xFFFFF086  }
0x1c: {  	p1 =	slt.u32 s9, $0xF7A;
	s5 =	simm.s32 @!p2 $0x0  }
0x1d: {  	s5 =	simm.s32 @p1 $0x1;
	p0 =	seq.s32 s7, s2  }
0x1e: {  	s7 =	smul.u32 @!p0 $0xF7A, s2;
	p2 =	seq.s32 @!p0 s5, $0x0  }
0x1f: {  	s9 =	smul.u32 $0xF7A, s1;
	s8 =	simm.s32 @!p0 $0x1BF5;
	p2 =	por !p2, p0  }
0x20: {  	[sflag:s8] =	ssyncset.s32 @!p0 $0xFFFFF086;
	s6 =	sadd.s32 @!p0 s3, s7;
	s7 =	simm.s32 @!p0 $0x108  }
0x21: {  	s3 =	sadd.s32 s3, s9;
	s6 =	sadd.s32 @!p0 $0x88, s6;
	s7 =	simm.s32 @p2 $0x1082  }
0x22: {  	[simem:s7], [sflag:s8] =	dma.local @!p0 [hbm:s6], $0xF7A  }
0x23: {  	s9 =	sor.u32 $0xD0000000, s2;
	s6 =	simm.s32 $0x108;
	_ =	swait.ge @!p0 [sflag:s8], $0x0  }
0x24: {  	s3 =	sadd.s32 $0x88, s3;
	s6 =	simm.s32 @!p1 $0x1082;
	[sflag:s4] =	ssyncset.s32 $0xFFFFF086  }
0x25: {  	[simem:s6], [sflag:s4] =	dma.local [hbm:s3], $0xF7A  }
0x26: {  	[smem:$0x3F9F] =	sst s1;
	(tag) =	ssettag s2;
	_ =	strace s9  }
0x27: {  	s1 =	sld [smem:$0x3FAF]  }
0x28: {  	s2 =	sld [smem:$0x3FB0]  }
0x29: {  	s4 =	sld [smem:$0x3FB2]  }
0x2a: {  	p0 =	seq.s32 s5, $0x0;
	s5 =	sld [smem:$0x3FB3]  }
0x2b: {  	s6 =	sld [smem:$0x3FB4]  }
0x2c: {  	s7 =	sld [smem:$0x3FB5]  }
0x2d: {  	s3 =	simm.s32 $0x108;
	s8 =	sld [smem:$0x3FB6]  }
0x2e: {  	s3 =	simm.s32 @!p0 $0x1082;
	s9 =	sld [smem:$0x3FB7]  }
0x2f: {  	lr =	sadd.s32 s0, s3;
	s0 =	sld [smem:$0x3FAE]  }
0x30: {  	s3 =	sld [smem:$0x3FB1]  }
0x31: {  	[smem:$0x3FBA] =	sst s10  }
0x32: {  	s10 =	sld [smem:$0x3FB8];
	_ =	sdelay $0x3  }
0x33: {  	p0 =	seq.s32 s10, $0x1;
	s10 =	sld [smem:$0x3FBA];
	_ =	sdelay $0x3  }
0x34: {  	[smem:$0x3FBA] =	sst s10  }
0x35: {  	s10 =	sld [smem:$0x3FB9];
	_ =	sdelay $0x3  }
0x36: {  	p1 =	seq.s32 s10, $0x1;
	s10 =	sld [smem:$0x3FBA];
	_ =	sdelay $0x3  }
0x37: {  	[smem:$0x3FBA] =	sst s10  }
0x38: {  	s10 =	sld [smem:$0x3FBB]  }
0x39: {  	_ = 	snop;
	(pc) =	sbr.ind lr, $3  }
0x3a: {  	_ = 	snop  }
0x3b: {  	_ = 	snop  }
0x3c: {  	p2 =	seq.s32 s10, $0x1;
	s10 =	sld [smem:$0x3FBA]  }
0x3d: {  	_ =	shalt  }
0x3e: {  	_ =	shalt  }
0x3f: {  	_ =	shalt  }
0x40: {  	_ =	shalt  }
0x41: {  	_ =	shalt  }
0x42: {  	_ =	shalt  }
0x43: {  	_ =	shalt  }
0x44: {  	_ =	shalt  }
0x45: {  	_ =	shalt  }
0x46: {  	_ =	shalt  }
0x47: {  	_ =	shalt  }
0x48: {  	_ =	shalt  }
0x49: {  	_ =	shalt  }
0x4a: {  	_ =	shalt  }
0x4b: {  	_ =	shalt  }
0x4c: {  	_ =	shalt  }
0x4d: {  	_ =	shalt  }
0x4e: {  	_ =	shalt  }
0x4f: {  	_ =	shalt  }
0x50: {  	_ =	shalt  }
0x51: {  	_ =	shalt  }
0x52: {  	_ =	shalt  }
0x53: {  	_ =	shalt  }
0x54: {  	_ =	shalt  }
0x55: {  	_ =	shalt  }
0x56: {  	_ =	shalt  }
0x57: {  	_ =	shalt  }
0x58: {  	_ =	shalt  }
0x59: {  	_ =	shalt  }
0x5a: {  	_ =	shalt  }
0x5b: {  	_ =	shalt  }
0x5c: {  	_ =	shalt  }
0x5d: {  	_ =	shalt  }
0x5e: {  	_ =	shalt  }
0x5f: {  	_ =	shalt  }
0x60: {  	_ =	shalt  }
0x61: {  	_ =	shalt  }
0x62: {  	_ =	shalt  }
0x63: {  	_ =	shalt  }
0x64: {  	_ =	shalt  }
0x65: {  	_ =	shalt  }
0x66: {  	_ =	shalt  }
0x67: {  	_ =	shalt  }
0x68: {  	_ =	shalt  }
0x69: {  	_ =	shalt  }
0x6a: {  	_ =	shalt  }
0x6b: {  	_ =	shalt  }
0x6c: {  	_ =	shalt  }
0x6d: {  	_ =	shalt  }
0x6e: {  	_ =	shalt  }
0x6f: {  	_ =	shalt  }
0x70: {  	_ =	shalt  }
0x71: {  	_ =	shalt  }
0x72: {  	_ =	shalt  }
0x73: {  	_ =	shalt  }
0x74: {  	_ =	shalt  }
0x75: {  	_ =	shalt  }
0x76: {  	_ =	shalt  }
0x77: {  	_ =	shalt  }
0x78: {  	_ =	shalt  }
0x79: {  	_ =	shalt  }
0x7a: {  	_ =	shalt  }
0x7b: {  	_ =	shalt  }
0x7c: {  	_ =	shalt  }
0x7d: {  	_ =	shalt  }
0x7e: {  	_ =	shalt  }
0x7f: {  	_ =	shalt  }
0x80: {  	_ =	shalt  }
0x81: {  	_ =	shalt  }
0x82: {  	_ =	shalt  }
0x83: {  	_ =	shalt  }
0x84: {  	_ =	shalt  }
0x85: {  	_ =	shalt  }
0x86: {  	_ =	shalt  }
0x87: {  	_ =	shalt  }
.Lfunc_end0:
.L_simem_size_0:
called_computation_lowered:
.L_overlay_start_0:
0x88: {  	s2 =	sld [smem:$0x3FD9]  }
0x89: {  	s3 =	sld [smem:$0x3FFE];
	_ =	sdelay $0x1  }
0x8a: {  	s1 =	srdreg.scid  }
0x8b: {  	s0 =	sand.u32 $0x1, s1  }
0x8c: {  	s17 =	sshll.u32 s0, $0xA;
	s2 =	sadd.s32 s3, s2  }
0x8d: {  	s2 =	sadd.s32 s2, s17  }
0x8e: {  	[smem:$0x3FC6] =	sst s2  }
0x8f: {  	_ = 	snop  }
0x90: {  	s2 =	sld [smem:$0x3FC8]  }
0x91: {  	s18 =	sld [smem:$0x3FD0];
	(tm) =	ssettm $0x1  }
0x92: {  	s4 =	sld [smem:$0x3FFB];
	_ =	sdelay $0x3  }
0x93: {  	_ =	strace s4  }
0x94: {  	s4 =	sld [smem:$0x3FFC];
	_ =	sdelay $0x3  }
0x95: {  	_ =	strace s4  }
0x96: {  	s4 =	sld [smem:$0x3FFD];
	_ =	sdelay $0x3  }
0x97: {  	_ =	strace s4  }
0x98: {  	_ =	strace $0x8FFFFFFF  }
0x99: {  	s19 =	sld [smem:$0x3FDB];
	_ =	sdelay $0x1  }
0x9a: {  	s5 =	simm.s32 $_scs_section_size  }
0x9b: {  	s6 =	simm.s32 $_size__tile_overlayer_lowered;
	s7 =	simm.s32 $_tile_overlayer_lowered  }
0x9c: {  	s22 =	simm.s32 $0x1BFF;
	s21 =	sshll.u32 s7, $0x1;
	s4 =	sadd.s32 s5, s19  }
0x9d: {  	s8 =	simm.s32 $0x0;
	s20 =	sshll.u32 s6, $0x1;
	s6 =	sadd.s32 s21, s4  }
0x9e: {  	[timem:s8], [sflag:s22] =	dma.local [hbm:s6], s20  }
0x9f: {  	_ =	swait.ge [sflag:s22], s20  }
0xa0: {  	s5 =	ssub.s32 $0x0, s20;
	[sflag:s22] =	ssyncset.done $0x0  }
0xa1: {  	[sflag:s22] =	ssyncadd.s32 s5;
	_ =	sdelay $0x1  }
0xa2: {  	s23 =	simm.s32 $0x1B8B  }
0xa3: {  	_ =	swait.ge [sflag:s23], $0x1  }
0xa4: {  	[sflag:s23] =	ssyncset.done $0x0  }
0xa5: {  	s25 =	simm.s32 $0x1B8E;
	s24 =	sld [smem:$0x3FFE];
	[sflag:s23] =	ssyncadd.s32 $0xFFFFFFFF  }
0xa6: {  	s26 =	simm.s32 $execute0_lowered;
	[smem:$0x3FD2] =	sst s25  }
0xa7: {  	s6 =	sshll.u32 s26, $0x1;
	_ =	strace $0x80000046;
	[dreg:$0x1] =	wrdreg $0xFFFFFFFF  }
0xa8: {  	s28 =	simm.s32 $_size_execute0_lowered;
	s4 =	sadd.s32 s4, s6;
	[dreg:$0x0] =	wrdreg $0x0  }
0xa9: {  	s6 =	sshll.u32 s28, $0x1;
	[dreg:$0x2] =	wrdreg s4  }
0xaa: {  	[dreg:$0x3] =	wrdreg s6  }
0xab: {  	[dreg:$0x4] =	wrdreg $0xC0  }
0xac: {  	_ =	task [dreg:s8], $0x5FFFF  }
0xad: {  	[dreg:$0x1] =	wrdreg $0xFFFFFFFF  }
0xae: {  	[dreg:$0x0] =	wrdreg $0x60  }
0xaf: {  	[dreg:$0x2] =	wrdreg s24  }
0xb0: {  	[dreg:$0x3] =	wrdreg s2  }
0xb1: {  	[dreg:$0x4] =	wrdreg s18  }
0xb2: {  	[dreg:$0x5] =	wrdreg $0x9  }
0xb3: {  	_ =	task.clear_ibuf [dreg:s8], $0x6FFFF;
	_ =	strace $0x90000046  }
0xb4: {  	s29 =	simm.s32 $0x9;
	_ =	strace $0x80000048  }
0xb5: {  	_ =	swait.ge [sflag:s29], $0x1  }
0xb6: {  	[sflag:s29] =	ssyncadd.s32 $0xFFFFFFFF  }
0xb7: {  	_ =	strace $0x90000048  }
0xb8: {  	_ =	sfence  }
0xb9: {  	s30 =	sld [smem:$0x0];
	_ =	sdelay $0x2  }
0xba: {  	s31 =	sshll.u32 s1, $0xD;
	s1 =	sshrl.u32 s1, $0x2  }
0xbb: {  	s3 =	sand.u32 $0x4000, s31;
	s1 =	sadd.s32 s1, s30  }
0xbc: {  	s0 =	sor.u32 s3, s0;
	s1 =	sshll.u32 s1, $0x11  }
0xbd: {  	s0 =	sor.u32 s1, s0  }
0xbe: {  	s0 =	sadd.s32 $0x8F2B, s0  }
0xbf: {  	[sflag:s0] =	ssyncadd.remote.s32 $0x1  }
0xc0: {  	_ =	sfence.sel $0xFFFF  }
0xc1: {  	[dreg:$0x0] =	wrdreg $0xFFFFFFFF;
	(pc) =	sbr.abs _section_cstart, $3  }
0xc2: {  	[dreg:$0x1] =	wrdreg $0xFFFFFFFF  }
0xc3: {  	_ =	task.clear_ibuf [dreg:s8], $0x2FFFF;
	_ =	strace $0x9FFFFFFF  }
0xc4: {  	(tm) =	ssettm $0x7FFFFFFF  }
0xc5: {  	_ =	shalt  }
tec
execute0_lowered:
.L_overlay_start_1:
0x0: {  	(tag) =	ssettag $0x1  }
0x1: {  	s0 =	rddreg [dreg:$0x0]  }
0x2: {  	s2 =	rddreg [dreg:$0x1]  }
0x3: {  	s1 =	rddreg [dreg:$0x2];
	s3 =	srdreg.scid  }
0x4: {  	s7 =	stileid.u32;
	s10 =	simm.s32 $0x40;
	s11 =	simm.s32 $0x4000  }
0x5: {  	s12 =	simm.s32 $0x6000;
	s14 =	simm.s32 $0x8000;
	s16 =	simm.s32 $0xA000  }
0x6: {  	s18 =	simm.s32 $0xC000;
	s20 =	simm.s32 $0xE000;
	s22 =	simm.s32 $0x10000  }
0x7: {  	s28 =	simm.s32 $0x3;
	s29 =	simm.s32 $0x4;
	s30 =	simm.s32 $0x5  }
0x8: {  	s31 =	simm.s32 $0x6;
	s8 =	simm.s32 $0xA;
	s13 =	simm.s32 $0xB  }
0x9: {  	s15 =	simm.s32 $0xC;
	s17 =	simm.s32 $0xD;
	s19 =	simm.s32 $0xE  }
0xa: {  	s21 =	simm.s32 $0xF;
	s4 =	sand.u32 $0x1, s3;
	s3 =	simm.s32 $0x0  }
0xb: {  	s5 =	sshll.u32 s7, $0xA;
	s25 =	sshll.u32 s7, $0xE;
	s7 =	simm.s32 $0x9  }
0xc: {  	s6 =	sshll.u32 s4, $0x9;
	[smem:$0x7FF] =	sst s3;
	s23 =	ssub.s32 $0x2, s4  }
0xd: {  	s26 =	sshll.u32 s4, $0xD;
	s5 =	sor.u32 s6, s5;
	s24 =	sshrl.u32 s23, $0x1  }
0xe: {  	_ =	strace $0x80000047;
	s0 =	sadd.s32 s5, s0;
	s5 =	ssub.s32 s23, s24  }
.Ltmp0:
0xf: {  	s24 =	simm.s32 $0x12000;
	s0 =	sadd.s32 $0x400, s0;
	(pc) =	sbr.rel .LBB2_1-.Ltmp0, $4  }
0x10: {  	s23 =	simm.s32 $0x10;
	s5 =	smax.u32 s5, $0x1;
	[dreg:$0x4] =	wrdreg s0  }
0x11: {  	[dreg:$0x5] =	wrdreg s5;
	s0 =	sadd.s32 s25, s1;
	s1 =	simm.s32 $0x8  }
0x12: {  	s5 =	simm.s32 $0x0;
	s25 =	simm.s32 $0x12000;
	s0 =	sadd.s32 s26, s0  }
0x13: {  	s26 =	simm.s32 $0x2;
	[dreg:$0x6] =	wrdreg s0;
	s0 =	simm.s32 $0x7  }
.LBB2_3:
0x14: {  	_ =	swait.ge [sflag:s8], $0x2000  }
0x15: {  	[sflag:s8] =	ssyncset.done $0x0  }
0x16: {  	[sflag:s8] =	ssyncadd.s32 $0xFFFFE000  }
0x17: {  	_ =	swait.ge [sflag:s13], $0x2000  }
0x18: {  	[sflag:s13] =	ssyncset.done $0x0  }
0x19: {  	[sflag:s13] =	ssyncadd.s32 $0xFFFFE000  }
0x1a: {  	_ =	swait.ge [sflag:s15], $0x2000  }
0x1b: {  	[sflag:s15] =	ssyncset.done $0x0  }
0x1c: {  	[sflag:s15] =	ssyncadd.s32 $0xFFFFE000  }
0x1d: {  	_ =	swait.ge [sflag:s17], $0x2000  }
0x1e: {  	[sflag:s17] =	ssyncset.done $0x0  }
0x1f: {  	[sflag:s17] =	ssyncadd.s32 $0xFFFFE000  }
0x20: {  	_ =	swait.ge [sflag:s19], $0x2000  }
0x21: {  	[sflag:s19] =	ssyncset.done $0x0  }
0x22: {  	[sflag:s19] =	ssyncadd.s32 $0xFFFFE000  }
0x23: {  	_ =	swait.ge [sflag:s21], $0x2000  }
0x24: {  	[sflag:s21] =	ssyncset.done $0x0  }
0x25: {  	s11 =	simm.s32 $0x4000;
	s12 =	simm.s32 $0x6000;
	[sflag:s21] =	ssyncadd.s32 $0xFFFFE000  }
0x26: {  	s14 =	simm.s32 $0x8000;
	s16 =	simm.s32 $0xA000;
	_ =	swait.ge [sflag:s23], $0x2000  }
0x27: {  	s18 =	simm.s32 $0xC000;
	s20 =	simm.s32 $0xE000;
	[sflag:s23] =	ssyncset.done $0x0  }
0x28: {  	s22 =	simm.s32 $0x10000;
	s24 =	simm.s32 $0x12000;
	[sflag:s23] =	ssyncadd.s32 $0xFFFFE000  }
.LBB2_5:
0x29: {  	s5 =	rddreg [dreg:$0x7]  }
0x2a: {  	s4 =	rddreg [dreg:$0x5];
	s5 =	sadd.s32 $0x1, s5  }
0x2b: {  	p0 =	sne.s32 s5, s4  }
.Ltmp1:
0x2c: {  	_ = 	snop;
	(pc) =	sbr.rel @!p0 .LBB2_6-.Ltmp1, $1  }
0x2d: {  	_ =	sdelay $0x3  }
.LBB2_1:
0x2e: {  	s4 =	rddreg [dreg:$0x4];
	s9 =	simm.s32 $0x1000;
	s6 =	simm.s32 $0x20000  }
0x2f: {  	[tilespmem:s3], [sflag:$0x11] =	stream.strided.gather [hbm4b:s4+s9], $0x4000, s6, s9, $0x38;
	[tilespmem:$0x14000] =	vst v63  }
0x30: {  	[dreg:$0x7] =	wrdreg s5;
	s9 =	simm.s32 $0x11  }
0x31: {  	_ =	swait.ge [sflag:s9], $0x4000  }
0x32: {  	[sflag:s9] =	ssyncset.done $0x0  }
0x33: {  	[sflag:s9] =	ssyncadd.s32 $0xFFFFC000  }
0x34: {  	[tilespmem:s11], [sflag:$0x1] =	stream.indirect.gather [hbm4b:s2+s10], $0x80, s3, s10, $0xb8;
	[tilespmem:$0x14000] =	vst v63  }
0x35: {  	_ = 	snop  }
0x36: {  	[tilespmem:s12], [sflag:$0x2] =	stream.indirect.gather [hbm4b:s2+s10], $0x80, s10, s10, $0xb8;
	[tilespmem:$0x14000] =	vst v63  }
0x37: {  	s12 =	simm.s32 $0x400  }
0x38: {  	[tilespmem:s14], [sflag:$0x3] =	stream.indirect.gather [hbm4b:s2+s10], $0x80, s12, s10, $0xb8;
	[tilespmem:$0x14000] =	vst v63  }
0x39: {  	s14 =	simm.s32 $0x440  }
0x3a: {  	[tilespmem:s16], [sflag:$0x4] =	stream.indirect.gather [hbm4b:s2+s10], $0x80, s14, s10, $0xb8;
	[tilespmem:$0x14000] =	vst v63  }
0x3b: {  	s16 =	simm.s32 $0x800  }
0x3c: {  	[tilespmem:s18], [sflag:$0x5] =	stream.indirect.gather [hbm4b:s2+s10], $0x80, s16, s10, $0xb8;
	[tilespmem:$0x14000] =	vst v63  }
0x3d: {  	s18 =	simm.s32 $0x840  }
0x3e: {  	[tilespmem:s20], [sflag:$0x6] =	stream.indirect.gather [hbm4b:s2+s10], $0x80, s18, s10, $0xb8;
	[tilespmem:$0x14000] =	vst v63  }
0x3f: {  	s5 =	simm.s32 $0x200;
	s20 =	simm.s32 $0xC00  }
0x40: {  	[tilespmem:s22], [sflag:$0x7] =	stream.indirect.gather [hbm4b:s2+s10], $0x80, s20, s10, $0xb8;
	[tilespmem:$0x14000] =	vst v63  }
0x41: {  	s4 =	simm.s32 $0x0;
	s9 =	simm.s32 $0x80;
	s22 =	simm.s32 $0xC40  }
0x42: {  	[tilespmem:s24], [sflag:$0x8] =	stream.indirect.gather [hbm4b:s2+s10], $0x80, s22, s10, $0xb8;
	[tilespmem:$0x14000] =	vst v63  }
.LBB2_2:
0x43: {  	s6 =	simm.s32 $0x1  }
0x44: {  	_ =	swait.ge [sflag:s6], $0x2000  }
0x45: {  	[sflag:s6] =	ssyncset.done $0x0;
	s24 =	rddreg [dreg:$0x6]  }
0x46: {  	[sflag:s6] =	ssyncadd.s32 $0xFFFFE000;
	s6 =	sadd.s32 s4, s24  }
0x47: {  	[hbm4b:s6+s3] =	stream.linear.scatter [tilespmem:s11], [sflag:$0x9], $0x2000, $0x38;
	[tilespmem:$0x14000] =	vst v63  }
0x48: {  	_ =	swait.ge [sflag:s26], $0x2000  }
0x49: {  	[sflag:s26] =	ssyncset.done $0x0  }
0x4a: {  	s14 =	simm.s32 $0x6000;
	s11 =	sadd.s32 $0x400, s6;
	[sflag:s26] =	ssyncadd.s32 $0xFFFFE000  }
0x4b: {  	[hbm4b:s11+s3] =	stream.linear.scatter [tilespmem:s14], [sflag:$0xA], $0x2000, $0x38;
	[tilespmem:$0x14000] =	vst v63  }
0x4c: {  	_ =	swait.ge [sflag:s28], $0x2000  }
0x4d: {  	[sflag:s28] =	ssyncset.done $0x0  }
0x4e: {  	s16 =	simm.s32 $0x8000;
	s11 =	sadd.s32 $0x800, s6;
	[sflag:s28] =	ssyncadd.s32 $0xFFFFE000  }
0x4f: {  	[hbm4b:s11+s3] =	stream.linear.scatter [tilespmem:s16], [sflag:$0xB], $0x2000, $0x38;
	[tilespmem:$0x14000] =	vst v63  }
0x50: {  	_ =	swait.ge [sflag:s29], $0x2000  }
0x51: {  	[sflag:s29] =	ssyncset.done $0x0  }
0x52: {  	s18 =	simm.s32 $0xA000;
	s11 =	sadd.s32 $0xC00, s6;
	[sflag:s29] =	ssyncadd.s32 $0xFFFFE000  }
0x53: {  	[hbm4b:s11+s3] =	stream.linear.scatter [tilespmem:s18], [sflag:$0xC], $0x2000, $0x38;
	[tilespmem:$0x14000] =	vst v63  }
0x54: {  	_ =	swait.ge [sflag:s30], $0x2000  }
0x55: {  	[sflag:s30] =	ssyncset.done $0x0  }
0x56: {  	s20 =	simm.s32 $0xC000;
	s11 =	sadd.s32 $0x1000, s6;
	[sflag:s30] =	ssyncadd.s32 $0xFFFFE000  }
0x57: {  	[hbm4b:s11+s3] =	stream.linear.scatter [tilespmem:s20], [sflag:$0xD], $0x2000, $0x38;
	[tilespmem:$0x14000] =	vst v63  }
0x58: {  	_ =	swait.ge [sflag:s31], $0x2000  }
0x59: {  	[sflag:s31] =	ssyncset.done $0x0  }
0x5a: {  	s22 =	simm.s32 $0xE000;
	s11 =	sadd.s32 $0x1400, s6;
	[sflag:s31] =	ssyncadd.s32 $0xFFFFE000  }
0x5b: {  	[hbm4b:s11+s3] =	stream.linear.scatter [tilespmem:s22], [sflag:$0xE], $0x2000, $0x38;
	[tilespmem:$0x14000] =	vst v63  }
0x5c: {  	_ =	swait.ge [sflag:s0], $0x2000  }
0x5d: {  	[sflag:s0] =	ssyncset.done $0x0  }
0x5e: {  	s24 =	simm.s32 $0x10000;
	s11 =	sadd.s32 $0x1800, s6;
	[sflag:s0] =	ssyncadd.s32 $0xFFFFE000  }
0x5f: {  	[hbm4b:s11+s3] =	stream.linear.scatter [tilespmem:s24], [sflag:$0xF], $0x2000, $0x38;
	[tilespmem:$0x14000] =	vst v63  }
0x60: {  	_ =	swait.ge [sflag:s1], $0x2000  }
0x61: {  	p0 =	sne.s32 s4, $0x640000;
	[sflag:s1] =	ssyncset.done $0x0  }
.Ltmp2:
0x62: {  	s6 =	sadd.s32 $0x1C00, s6;
	[sflag:s1] =	ssyncadd.s32 $0xFFFFE000;
	(pc) =	sbr.rel @!p0 .LBB2_3-.Ltmp2, $4  }
0x63: {  	[hbm4b:s6+s3] =	stream.linear.scatter [tilespmem:s25], [sflag:$0x10], $0x2000, $0x38;
	[tilespmem:$0x14000] =	vst v63  }
0x64: {  	_ =	swait.ge [sflag:s7], $0x2000  }
0x65: {  	[sflag:s7] =	ssyncset.done $0x0  }
0x66: {  	s12 =	simm.s32 $0x4000;
	[sflag:s7] =	ssyncadd.s32 $0xFFFFE000  }
0x67: {  	s6 =	sand.u32 $0x7000, s5;
	s11 =	sand.u32 $0x380, s9  }
0x68: {  	s6 =	sor.u32 s11, s6  }
0x69: {  	[tilespmem:s12], [sflag:$0x1] =	stream.indirect.gather [hbm4b:s2+s10], $0x80, s6, s10, $0xb8;
	[tilespmem:$0x14000] =	vst v63  }
0x6a: {  	_ =	swait.ge [sflag:s8], $0x2000  }
0x6b: {  	[sflag:s8] =	ssyncset.done $0x0  }
0x6c: {  	s11 =	sor.u32 $0x40, s6;
	[sflag:s8] =	ssyncadd.s32 $0xFFFFE000  }
0x6d: {  	[tilespmem:s14], [sflag:$0x2] =	stream.indirect.gather [hbm4b:s2+s10], $0x80, s11, s10, $0xb8;
	[tilespmem:$0x14000] =	vst v63  }
0x6e: {  	_ =	swait.ge [sflag:s13], $0x2000  }
0x6f: {  	[sflag:s13] =	ssyncset.done $0x0  }
0x70: {  	s14 =	sor.u32 $0x400, s6;
	[sflag:s13] =	ssyncadd.s32 $0xFFFFE000  }
0x71: {  	[tilespmem:s16], [sflag:$0x3] =	stream.indirect.gather [hbm4b:s2+s10], $0x80, s14, s10, $0xb8;
	[tilespmem:$0x14000] =	vst v63  }
0x72: {  	_ =	swait.ge [sflag:s15], $0x2000  }
0x73: {  	[sflag:s15] =	ssyncset.done $0x0  }
0x74: {  	s16 =	sor.u32 $0x440, s6;
	[sflag:s15] =	ssyncadd.s32 $0xFFFFE000  }
0x75: {  	[tilespmem:s18], [sflag:$0x4] =	stream.indirect.gather [hbm4b:s2+s10], $0x80, s16, s10, $0xb8;
	[tilespmem:$0x14000] =	vst v63  }
0x76: {  	_ =	swait.ge [sflag:s17], $0x2000  }
0x77: {  	[sflag:s17] =	ssyncset.done $0x0  }
0x78: {  	s18 =	sor.u32 $0x800, s6;
	[sflag:s17] =	ssyncadd.s32 $0xFFFFE000  }
0x79: {  	[tilespmem:s20], [sflag:$0x5] =	stream.indirect.gather [hbm4b:s2+s10], $0x80, s18, s10, $0xb8;
	[tilespmem:$0x14000] =	vst v63  }
0x7a: {  	_ =	swait.ge [sflag:s19], $0x2000  }
0x7b: {  	[sflag:s19] =	ssyncset.done $0x0  }
0x7c: {  	s4 =	sadd.s32 $0x40000, s4;
	s20 =	sor.u32 $0x840, s6;
	[sflag:s19] =	ssyncadd.s32 $0xFFFFE000  }
0x7d: {  	[tilespmem:s22], [sflag:$0x6] =	stream.indirect.gather [hbm4b:s2+s10], $0x80, s20, s10, $0xb8;
	[tilespmem:$0x14000] =	vst v63  }
0x7e: {  	s5 =	sadd.s32 $0x200, s5;
	s9 =	sadd.s32 $0x80, s9;
	_ =	swait.ge [sflag:s21], $0x2000  }
0x7f: {  	p0 =	sne.s32 s4, $0x680000;
	s12 =	simm.s32 $0x6000;
	[sflag:s21] =	ssyncset.done $0x0  }
0x80: {  	s11 =	simm.s32 $0x4000;
	s22 =	sor.u32 $0xC00, s6;
	[sflag:s21] =	ssyncadd.s32 $0xFFFFE000  }
0x81: {  	[tilespmem:s24], [sflag:$0x7] =	stream.indirect.gather [hbm4b:s2+s10], $0x80, s22, s10, $0xb8;
	[tilespmem:$0x14000] =	vst v63  }
.Ltmp3:
0x82: {  	s14 =	simm.s32 $0x8000;
	s16 =	simm.s32 $0xA000;
	(pc) =	sbr.rel @p0 .LBB2_2-.Ltmp3, $4  }
.Ltmp4:
0x83: {  	s18 =	simm.s32 $0xC000;
	_ =	swait.ge [sflag:s23], $0x2000;
	(pc) =	sbr.rel @!p0 .LBB2_5-.Ltmp4, $4  }
0x84: {  	s6 =	sor.u32 $0xC40, s6;
	s20 =	simm.s32 $0xE000;
	[sflag:s23] =	ssyncset.done $0x0  }
0x85: {  	s22 =	simm.s32 $0x10000;
	s24 =	simm.s32 $0x12000;
	[sflag:s23] =	ssyncadd.s32 $0xFFFFE000  }
0x86: {  	[tilespmem:s25], [sflag:$0x8] =	stream.indirect.gather [hbm4b:s2+s10], $0x80, s6, s10, $0xb8;
	[tilespmem:$0x14000] =	vst v63  }
0x87: {  	_ = 	snop  }
.LBB2_6:
0x88: {  	_ =	sfence.sel $0x180000  }
0x89: {  	[bflag:$0x0] =	sbarrier.arrive $0xFFFF  }
0x8a: {  	_ =	strace $0x90000047  }
0x8b: {  	s0 =	stileid.u32;
	[bflag:$0x2] =	sbarrier.arrive $0xFFFF  }
0x8c: {  	p0 =	sne.s32 s0, $0x0;
	s0 =	rddreg [dreg:$0x3]  }
0x8d: {  	s0 =	sadd.s32 @!p0 $0x100000, s0  }
0x8e: {  	[sflag:s0] =	ssyncadd.tile.s32 @!p0 $0x1;
	_ =	shalt  }
.Lfunc_end2:
_tile_overlayer_lowered:
.L_overlay_start_2:
0x8f: {  	(tag) =	ssettag $0x2  }
0x90: {  	s0 =	rddreg [dreg:$0x0];
	s2 =	stileid.u32  }
0x91: {  	s1 =	rddreg [dreg:$0x1];
	p0 =	sne.s32 s2, $0x0  }
0x92: {  	s3 =	rddreg [dreg:$0x2];
	[bflag:$0x3] =	sbarrier.arrive $0xFFFF;
	s2 =	simm.s32 @!p0 $0x1C11  }
0x93: {  	[timem:s3], [sflag:s2] =	dma.local @!p0 [hbm:s0], s1  }
0x94: {  	s0 =	simm.s32 @!p0 $0x11  }
0x95: {  	_ =	swait.ge @!p0 [sflag:s0], s1  }
0x96: {  	s1 =	ssub.s32 @!p0 $0x0, s1;
	[sflag:s0] =	ssyncset.done @!p0 $0x0  }
0x97: {  	[sflag:s0] =	ssyncadd.s32 @!p0 s1  }
0x98: {  	[bflag:$0x3] =	sbarrier.arrive $0xFFFF  }
0x99: {  	_ =	shalt  }

</sc_bundles>
